<compile_context>
chip_gen: v7x
topology: tpu7x:2x2x1
jax: 0.10.2.dev20260603
libtpu: 0.0.44.dev20260713+nightly
codegen_flags: <defaults>
</compile_context>

<pallas_src>
import functools

import jax
import jax.numpy as jnp
from jax import lax
from jax.experimental import pallas as pl
from jax.experimental.pallas import tpu as pltpu
from jax.experimental.pallas import tpu_sc as plsc

_NUM_CORES = 2
_NUM_SUBCORES = 16
_NUM_WORKERS = _NUM_CORES * _NUM_SUBCORES


@functools.partial(jax.jit, static_argnames=("rows_per_w", "chunk"))
def _sc_gather(W, x, *, rows_per_w, chunk):
    n_pairs = rows_per_w // (2 * chunk)
    R, S = x.shape
    D = W.shape[1]
    mesh = plsc.VectorSubcoreMesh(core_axis_name="c", subcore_axis_name="s")

    @functools.partial(
        pl.kernel,
        mesh=mesh,
        out_type=jax.ShapeDtypeStruct((R, S, D), jnp.float32),
        scratch_types=[
            pltpu.VMEM((rows_per_w, S), jnp.int32),
            pltpu.VMEM((2, chunk, S, D), jnp.float32),
            pltpu.SemaphoreType.DMA,
            pltpu.SemaphoreType.DMA,
            pltpu.SemaphoreType.DMA,
            pltpu.SemaphoreType.DMA,
        ],
        compiler_params=pltpu.CompilerParams(use_tc_tiling_on_sc=False),
    )
    def k(table_hbm, x_hbm, out_hbm, idx_v, rows_v, gsem0, gsem1, wsem0, wsem1):
        wid = lax.axis_index("s") * _NUM_CORES + lax.axis_index("c")
        wbase = wid * rows_per_w
        pltpu.sync_copy(x_hbm.at[pl.ds(wbase, rows_per_w)], idx_v)
        wsems = (wsem0, wsem1)
        gsems = (gsem0, gsem1)

        def body(g, _):
            for p in range(2):
                c = 2 * g + p
                buf = rows_v.at[p]

                @pl.when(g > 0)
                def _():
                    pltpu.make_async_copy(
                        out_hbm.at[pl.ds(0, chunk)], buf, wsems[p]
                    ).wait()

                for j in range(chunk):
                    pltpu.async_copy(
                        table_hbm.at[idx_v.at[c * chunk + j]], buf.at[j], gsems[p]
                    )
            for p in range(2):
                c = 2 * g + p
                buf = rows_v.at[p]
                pltpu.make_async_copy(
                    out_hbm.at[pl.ds(0, chunk)], buf, gsems[p]
                ).wait()
                pltpu.async_copy(
                    buf, out_hbm.at[pl.ds(wbase + c * chunk, chunk)], wsems[p]
                )
            return 0

        lax.fori_loop(0, n_pairs, body, 0)
        for p in range(2):
            pltpu.make_async_copy(
                out_hbm.at[pl.ds(0, chunk)], rows_v.at[p], wsems[p]
            ).wait()

    return k(W, x)


def kernel(W, x):
    R, S = x.shape
    xi = x.astype(jnp.int32)
    assert R % _NUM_WORKERS == 0
    rows_per_w = R // _NUM_WORKERS
    chunk = 16
    assert rows_per_w % (2 * chunk) == 0
    return _sc_gather(W, xi, rows_per_w=rows_per_w, chunk=chunk)

# --- scband reference (transcript-rebuilt; emitter-appended) ---
"""Pipeline reference for scband-embedding-24481313587229 (READ-ONLY COPY).

The authoritative reference and input builder live on the scoring server;
editing this copy changes nothing except your own understanding.
"""

import jax, jax.numpy as jnp
import numpy as np

NUM_EMBEDDINGS = 1000000
EMBEDDING_DIM = 32

def setup_inputs(seed: int = 0) -> dict:
    key = jax.random.key(seed)
    k1, k2 = jax.random.split(key)
    x = jax.random.randint(k1, (16384, 50), 0, NUM_EMBEDDINGS, dtype=jnp.int64 if jax.config.jax_enable_x64 else jnp.int32)
    W = jax.random.normal(k2, (NUM_EMBEDDINGS, EMBEDDING_DIM), dtype=jnp.float32)
    return {"W": W, "x": x}

def reference(W, x):
    # Faithful translation of Embedding.forward with default flags:
    # max_norm=None, sparse=False, scale_grad_by_freq=False, padding_idx=None
    # -> out = W[x]
    out = jnp.take(W, x, axis=0)
    return out

if __name__ == "__main__":
    import jax
    _d = setup_inputs()
    print(jax.jit(kernel)(*tuple(_d.values())))

</pallas_src>

<mosaic_0001>
#map = affine_map<(d0, d1) -> (0, 0)>
#map1 = affine_map<(d0, d1) -> (0, 0, 0)>
module attributes {stable_mosaic.version = 14 : i64} {
  func.func @k(%arg0: i32, %arg1: i32, %arg2: memref<1000000x32xf32, #tpu.memory_space<hbm>>, %arg3: memref<16384x50xi32, #tpu.memory_space<hbm>>, %arg4: memref<16384x50x32xf32, #tpu.memory_space<hbm>>, %arg5: memref<512x50xi32, #tpu.memory_space<vmem>>, %arg6: memref<2x16x50x32xf32, #tpu.memory_space<vmem>>, %arg7: memref<!tpu.dma_semaphore, #tpu.memory_space<semaphore_mem>>, %arg8: memref<!tpu.dma_semaphore, #tpu.memory_space<semaphore_mem>>, %arg9: memref<!tpu.dma_semaphore, #tpu.memory_space<semaphore_mem>>, %arg10: memref<!tpu.dma_semaphore, #tpu.memory_space<semaphore_mem>>) attributes {dimension_semantics = [#tpu.dimension_semantics<core_parallel>, #tpu.dimension_semantics<subcore_parallel>], iteration_bounds = array<i64: 2, 16>, scalar_prefetch = 0 : i64, scratch_operands = 6 : i64, tpu.core_type = #tpu.core_type<sc_vector_subcore>, window_params = [{transform_indices = #map}, {transform_indices = #map}, {transform_indices = #map1}]} {
    %mul3A = arith.constant 2 : i32
    %mul3A_0 = arith.muli %arg1, %mul3A : i32
    %add3A = arith.addi %mul3A_0, %arg0 : i32
    %mul3A_1 = arith.constant 512 : i32
    %mul3A_2 = arith.muli %add3A, %mul3A_1 : i32
    "tpu.region"() ({
      %run_scoped3A = tpu.sem_alloc : memref<!tpu.dma_semaphore, #tpu.memory_space<semaphore_mem>>
      %dma_start3A = arith.constant 0 : i32
      %dma_start3A_46 = tpu.memref_slice %arg3[%mul3A_2, %dma_start3A] : memref<16384x50xi32, #tpu.memory_space<hbm>> -> memref<512x50xi32, #tpu.memory_space<hbm>>
      %dma_start3A_47 = arith.constant 0 : i32
      %dma_start3A_48 = tpu.memref_slice %arg3[%mul3A_2, %dma_start3A_47] : memref<16384x50xi32, #tpu.memory_space<hbm>> -> memref<512x50xi32, #tpu.memory_space<hbm>>
      tpu.enqueue_dma source(%dma_start3A_48 : memref<512x50xi32, #tpu.memory_space<hbm>>) target(%arg5 : memref<512x50xi32, #tpu.memory_space<vmem>>) target_semaphore(%run_scoped3A : memref<!tpu.dma_semaphore, #tpu.memory_space<semaphore_mem>>)
      %dma_wait3A_49 = arith.constant 0 : i32
      %dma_wait3A_50 = tpu.memref_slice %arg3[%mul3A_2, %dma_wait3A_49] : memref<16384x50xi32, #tpu.memory_space<hbm>> -> memref<512x50xi32, #tpu.memory_space<hbm>>
      %dma_wait3A_51 = arith.constant 0 : i32
      %dma_wait3A_52 = tpu.memref_slice %arg3[%mul3A_2, %dma_wait3A_51] : memref<16384x50xi32, #tpu.memory_space<hbm>> -> memref<512x50xi32, #tpu.memory_space<hbm>>
      tpu.wait_dma2 semaphore(%run_scoped3A : memref<!tpu.dma_semaphore, #tpu.memory_space<semaphore_mem>>) src(%dma_wait3A_52 : memref<512x50xi32, #tpu.memory_space<hbm>>) dst(%arg5 : memref<512x50xi32, #tpu.memory_space<vmem>>)
      tpu.yield
    }) : () -> ()
    %scan3A = arith.constant 0 : i32
    %scan3A_3 = arith.constant 0 : i32
    %scan3A_4 = arith.constant 16 : i32
    %scan3A_5 = arith.addi %scan3A_3, %scan3A_4 : i32
    %scan3A_6 = arith.constant 1 : i32
    %scan3A_7 = scf.for %scan3A_46 = %scan3A_3 to %scan3A_5 step %scan3A_6 iter_args(%scan3A_47 = %scan3A) -> (i32)  : i32 {
      %mul3A_48 = arith.constant 2 : i32
      %mul3A_49 = arith.muli %mul3A_48, %scan3A_46 : i32
      %add3A_50 = arith.constant 0 : i32
      %add3A_51 = arith.addi %mul3A_49, %add3A_50 : i32
      %gt3A = arith.constant 0 : i32
      %gt3A_52 = arith.cmpi sgt, %scan3A_46, %gt3A : i32
      %convert_element_type3A = arith.extui %gt3A_52 : i1 to i32
      %cond3A = arith.constant 0 : i32
      %cond3A_53 = arith.constant 0 : i32
      %cond3A_54 = arith.cmpi ne, %convert_element_type3A, %cond3A_53 : i32
      scf.if %cond3A_54 {
        %dma_wait3A_823 = arith.constant 0 : i32
        %dma_wait3A_824 = arith.constant 0 : i32
        %dma_wait3A_825 = arith.constant 0 : i32
        %dma_wait3A_826 = tpu.memref_slice %arg6[%cond3A, %dma_wait3A_823, %dma_wait3A_824, %dma_wait3A_825] : memref<2x16x50x32xf32, #tpu.memory_space<vmem>> -> memref<1x16x50x32xf32, #tpu.memory_space<vmem>>
        %dma_wait3A_827 = tpu.memref_squeeze %dma_wait3A_826 : memref<1x16x50x32xf32, #tpu.memory_space<vmem>> -> memref<16x50x32xf32, #tpu.memory_space<vmem>>
        %dma_wait3A_828 = arith.constant 0 : i32
        %dma_wait3A_829 = arith.constant 0 : i32
        %dma_wait3A_830 = arith.constant 0 : i32
        %dma_wait3A_831 = tpu.memref_slice %arg4[%dma_wait3A_828, %dma_wait3A_829, %dma_wait3A_830] : memref<16384x50x32xf32, #tpu.memory_space<hbm>> -> memref<16x50x32xf32, #tpu.memory_space<hbm>>
        %dma_wait3A_832 = arith.constant 0 : i32
        %dma_wait3A_833 = arith.constant 0 : i32
        %dma_wait3A_834 = arith.constant 0 : i32
        %dma_wait3A_835 = tpu.memref_slice %arg6[%cond3A, %dma_wait3A_832, %dma_wait3A_833, %dma_wait3A_834] : memref<2x16x50x32xf32, #tpu.memory_space<vmem>> -> memref<1x16x50x32xf32, #tpu.memory_space<vmem>>
        %dma_wait3A_836 = tpu.memref_squeeze %dma_wait3A_835 : memref<1x16x50x32xf32, #tpu.memory_space<vmem>> -> memref<16x50x32xf32, #tpu.memory_space<vmem>>
        %dma_wait3A_837 = arith.constant 0 : i32
        %dma_wait3A_838 = arith.constant 0 : i32
        %dma_wait3A_839 = arith.constant 0 : i32
        %dma_wait3A_840 = tpu.memref_slice %arg4[%dma_wait3A_837, %dma_wait3A_838, %dma_wait3A_839] : memref<16384x50x32xf32, #tpu.memory_space<hbm>> -> memref<16x50x32xf32, #tpu.memory_space<hbm>>
        tpu.wait_dma2 semaphore(%arg9 : memref<!tpu.dma_semaphore, #tpu.memory_space<semaphore_mem>>) src(%dma_wait3A_840 : memref<16x50x32xf32, #tpu.memory_space<hbm>>) dst(%dma_wait3A_836 : memref<16x50x32xf32, #tpu.memory_space<vmem>>)
      } else {
      }
      %mul3A_55 = arith.constant 16 : i32
      %mul3A_56 = arith.muli %add3A_51, %mul3A_55 : i32
      %add3A_57 = arith.constant 0 : i32
      %add3A_58 = arith.addi %mul3A_56, %add3A_57 : i32
      %dma_start3A = arith.constant 0 : i32
      %dma_start3A_59 = arith.constant 0 : i32
      %dma_start3A_60 = arith.constant 0 : i32
      %dma_start3A_61 = arith.constant 0 : i32
      %dma_start3A_62 = arith.constant 0 : i32
      %dma_start3A_63 = tpu.memref_slice %arg6[%dma_start3A, %dma_start3A_60, %dma_start3A_61, %dma_start3A_62] : memref<2x16x50x32xf32, #tpu.memory_space<vmem>> -> memref<1x16x50x32xf32, #tpu.memory_space<vmem>>
      %dma_start3A_64 = tpu.memref_squeeze %dma_start3A_63 : memref<1x16x50x32xf32, #tpu.memory_space<vmem>> -> memref<16x50x32xf32, #tpu.memory_space<vmem>>
      %dma_start3A_65 = arith.constant 0 : i32
      %dma_start3A_66 = arith.constant 0 : i32
      %dma_start3A_67 = tpu.memref_slice %dma_start3A_64[%dma_start3A_59, %dma_start3A_65, %dma_start3A_66] : memref<16x50x32xf32, #tpu.memory_space<vmem>> -> memref<1x50x32xf32, #tpu.memory_space<vmem>>
      %dma_start3A_68 = tpu.memref_squeeze %dma_start3A_67 : memref<1x50x32xf32, #tpu.memory_space<vmem>> -> memref<50x32xf32, #tpu.memory_space<vmem>>
      %dma_start3A_69 = arith.constant 0 : i32
      %dma_start3A_70 = tpu.memref_slice %arg5[%add3A_58, %dma_start3A_69] : memref<512x50xi32, #tpu.memory_space<vmem>> -> memref<1x50xi32, #tpu.memory_space<vmem>>
      %dma_start3A_71 = tpu.memref_squeeze %dma_start3A_70 : memref<1x50xi32, #tpu.memory_space<vmem>> -> memref<50xi32, #tpu.memory_space<vmem>>
      %dma_start3A_72 = arith.constant 0 : i32
      %dma_start3A_73 = arith.constant 0 : i32
      %dma_start3A_74 = tpu.memref_slice %arg2[%dma_start3A_72, %dma_start3A_73] : memref<1000000x32xf32, #tpu.memory_space<hbm>> -> memref<1000000x32xf32, #tpu.memory_space<hbm>>
      tpu.enqueue_indirect_dma source(%dma_start3A_74 : memref<1000000x32xf32, #tpu.memory_space<hbm>>) target(%dma_start3A_68 : memref<50x32xf32, #tpu.memory_space<vmem>>) offsets(%dma_start3A_71 : memref<50xi32, #tpu.memory_space<vmem>>) semaphore(%arg7 : memref<!tpu.dma_semaphore, #tpu.memory_space<semaphore_mem>>)
      %mul3A_75 = arith.constant 16 : i32
      %mul3A_76 = arith.muli %add3A_51, %mul3A_75 : i32
      %add3A_77 = arith.constant 1 : i32
      %add3A_78 = arith.addi %mul3A_76, %add3A_77 : i32
      %dma_start3A_79 = arith.constant 0 : i32
      %dma_start3A_80 = arith.constant 1 : i32
      %dma_start3A_81 = arith.constant 0 : i32
      %dma_start3A_82 = arith.constant 0 : i32
      %dma_start3A_83 = arith.constant 0 : i32
      %dma_start3A_84 = tpu.memref_slice %arg6[%dma_start3A_79, %dma_start3A_81, %dma_start3A_82, %dma_start3A_83] : memref<2x16x50x32xf32, #tpu.memory_space<vmem>> -> memref<1x16x50x32xf32, #tpu.memory_space<vmem>>
      %dma_start3A_85 = tpu.memref_squeeze %dma_start3A_84 : memref<1x16x50x32xf32, #tpu.memory_space<vmem>> -> memref<16x50x32xf32, #tpu.memory_space<vmem>>
      %dma_start3A_86 = arith.constant 0 : i32
      %dma_start3A_87 = arith.constant 0 : i32
      %dma_start3A_88 = tpu.memref_slice %dma_start3A_85[%dma_start3A_80, %dma_start3A_86, %dma_start3A_87] : memref<16x50x32xf32, #tpu.memory_space<vmem>> -> memref<1x50x32xf32, #tpu.memory_space<vmem>>
      %dma_start3A_89 = tpu.memref_squeeze %dma_start3A_88 : memref<1x50x32xf32, #tpu.memory_space<vmem>> -> memref<50x32xf32, #tpu.memory_space<vmem>>
      %dma_start3A_90 = arith.constant 0 : i32
      %dma_start3A_91 = tpu.memref_slice %arg5[%add3A_78, %dma_start3A_90] : memref<512x50xi32, #tpu.memory_space<vmem>> -> memref<1x50xi32, #tpu.memory_space<vmem>>
      %dma_start3A_92 = tpu.memref_squeeze %dma_start3A_91 : memref<1x50xi32, #tpu.memory_space<vmem>> -> memref<50xi32, #tpu.memory_space<vmem>>
      %dma_start3A_93 = arith.constant 0 : i32
      %dma_start3A_94 = arith.constant 0 : i32
      %dma_start3A_95 = tpu.memref_slice %arg2[%dma_start3A_93, %dma_start3A_94] : memref<1000000x32xf32, #tpu.memory_space<hbm>> -> memref<1000000x32xf32, #tpu.memory_space<hbm>>
      tpu.enqueue_indirect_dma source(%dma_start3A_95 : memref<1000000x32xf32, #tpu.memory_space<hbm>>) target(%dma_start3A_89 : memref<50x32xf32, #tpu.memory_space<vmem>>) offsets(%dma_start3A_92 : memref<50xi32, #tpu.memory_space<vmem>>) semaphore(%arg7 : memref<!tpu.dma_semaphore, #tpu.memory_space<semaphore_mem>>)
      %mul3A_96 = arith.constant 16 : i32
      %mul3A_97 = arith.muli %add3A_51, %mul3A_96 : i32
      %add3A_98 = arith.constant 2 : i32
      %add3A_99 = arith.addi %mul3A_97, %add3A_98 : i32
      %dma_start3A_100 = arith.constant 0 : i32
      %dma_start3A_101 = arith.constant 2 : i32
      %dma_start3A_102 = arith.constant 0 : i32
      %dma_start3A_103 = arith.constant 0 : i32
      %dma_start3A_104 = arith.constant 0 : i32
      %dma_start3A_105 = tpu.memref_slice %arg6[%dma_start3A_100, %dma_start3A_102, %dma_start3A_103, %dma_start3A_104] : memref<2x16x50x32xf32, #tpu.memory_space<vmem>> -> memref<1x16x50x32xf32, #tpu.memory_space<vmem>>
      %dma_start3A_106 = tpu.memref_squeeze %dma_start3A_105 : memref<1x16x50x32xf32, #tpu.memory_space<vmem>> -> memref<16x50x32xf32, #tpu.memory_space<vmem>>
      %dma_start3A_107 = arith.constant 0 : i32
      %dma_start3A_108 = arith.constant 0 : i32
      %dma_start3A_109 = tpu.memref_slice %dma_start3A_106[%dma_start3A_101, %dma_start3A_107, %dma_start3A_108] : memref<16x50x32xf32, #tpu.memory_space<vmem>> -> memref<1x50x32xf32, #tpu.memory_space<vmem>>
      %dma_start3A_110 = tpu.memref_squeeze %dma_start3A_109 : memref<1x50x32xf32, #tpu.memory_space<vmem>> -> memref<50x32xf32, #tpu.memory_space<vmem>>
      %dma_start3A_111 = arith.constant 0 : i32
      %dma_start3A_112 = tpu.memref_slice %arg5[%add3A_99, %dma_start3A_111] : memref<512x50xi32, #tpu.memory_space<vmem>> -> memref<1x50xi32, #tpu.memory_space<vmem>>
      %dma_start3A_113 = tpu.memref_squeeze %dma_start3A_112 : memref<1x50xi32, #tpu.memory_space<vmem>> -> memref<50xi32, #tpu.memory_space<vmem>>
      %dma_start3A_114 = arith.constant 0 : i32
      %dma_start3A_115 = arith.constant 0 : i32
      %dma_start3A_116 = tpu.memref_slice %arg2[%dma_start3A_114, %dma_start3A_115] : memref<1000000x32xf32, #tpu.memory_space<hbm>> -> memref<1000000x32xf32, #tpu.memory_space<hbm>>
      tpu.enqueue_indirect_dma source(%dma_start3A_116 : memref<1000000x32xf32, #tpu.memory_space<hbm>>) target(%dma_start3A_110 : memref<50x32xf32, #tpu.memory_space<vmem>>) offsets(%dma_start3A_113 : memref<50xi32, #tpu.memory_space<vmem>>) semaphore(%arg7 : memref<!tpu.dma_semaphore, #tpu.memory_space<semaphore_mem>>)
      %mul3A_117 = arith.constant 16 : i32
      %mul3A_118 = arith.muli %add3A_51, %mul3A_117 : i32
      %add3A_119 = arith.constant 3 : i32
      %add3A_120 = arith.addi %mul3A_118, %add3A_119 : i32
      %dma_start3A_121 = arith.constant 0 : i32
      %dma_start3A_122 = arith.constant 3 : i32
      %dma_start3A_123 = arith.constant 0 : i32
      %dma_start3A_124 = arith.constant 0 : i32
      %dma_start3A_125 = arith.constant 0 : i32
      %dma_start3A_126 = tpu.memref_slice %arg6[%dma_start3A_121, %dma_start3A_123, %dma_start3A_124, %dma_start3A_125] : memref<2x16x50x32xf32, #tpu.memory_space<vmem>> -> memref<1x16x50x32xf32, #tpu.memory_space<vmem>>
      %dma_start3A_127 = tpu.memref_squeeze %dma_start3A_126 : memref<1x16x50x32xf32, #tpu.memory_space<vmem>> -> memref<16x50x32xf32, #tpu.memory_space<vmem>>
      %dma_start3A_128 = arith.constant 0 : i32
      %dma_start3A_129 = arith.constant 0 : i32
      %dma_start3A_130 = tpu.memref_slice %dma_start3A_127[%dma_start3A_122, %dma_start3A_128, %dma_start3A_129] : memref<16x50x32xf32, #tpu.memory_space<vmem>> -> memref<1x50x32xf32, #tpu.memory_space<vmem>>
      %dma_start3A_131 = tpu.memref_squeeze %dma_start3A_130 : memref<1x50x32xf32, #tpu.memory_space<vmem>> -> memref<50x32xf32, #tpu.memory_space<vmem>>
      %dma_start3A_132 = arith.constant 0 : i32
      %dma_start3A_133 = tpu.memref_slice %arg5[%add3A_120, %dma_start3A_132] : memref<512x50xi32, #tpu.memory_space<vmem>> -> memref<1x50xi32, #tpu.memory_space<vmem>>
      %dma_start3A_134 = tpu.memref_squeeze %dma_start3A_133 : memref<1x50xi32, #tpu.memory_space<vmem>> -> memref<50xi32, #tpu.memory_space<vmem>>
      %dma_start3A_135 = arith.constant 0 : i32
      %dma_start3A_136 = arith.constant 0 : i32
      %dma_start3A_137 = tpu.memref_slice %arg2[%dma_start3A_135, %dma_start3A_136] : memref<1000000x32xf32, #tpu.memory_space<hbm>> -> memref<1000000x32xf32, #tpu.memory_space<hbm>>
      tpu.enqueue_indirect_dma source(%dma_start3A_137 : memref<1000000x32xf32, #tpu.memory_space<hbm>>) target(%dma_start3A_131 : memref<50x32xf32, #tpu.memory_space<vmem>>) offsets(%dma_start3A_134 : memref<50xi32, #tpu.memory_space<vmem>>) semaphore(%arg7 : memref<!tpu.dma_semaphore, #tpu.memory_space<semaphore_mem>>)
      %mul3A_138 = arith.constant 16 : i32
      %mul3A_139 = arith.muli %add3A_51, %mul3A_138 : i32
      %add3A_140 = arith.constant 4 : i32
      %add3A_141 = arith.addi %mul3A_139, %add3A_140 : i32
      %dma_start3A_142 = arith.constant 0 : i32
      %dma_start3A_143 = arith.constant 4 : i32
      %dma_start3A_144 = arith.constant 0 : i32
      %dma_start3A_145 = arith.constant 0 : i32
      %dma_start3A_146 = arith.constant 0 : i32
      %dma_start3A_147 = tpu.memref_slice %arg6[%dma_start3A_142, %dma_start3A_144, %dma_start3A_145, %dma_start3A_146] : memref<2x16x50x32xf32, #tpu.memory_space<vmem>> -> memref<1x16x50x32xf32, #tpu.memory_space<vmem>>
      %dma_start3A_148 = tpu.memref_squeeze %dma_start3A_147 : memref<1x16x50x32xf32, #tpu.memory_space<vmem>> -> memref<16x50x32xf32, #tpu.memory_space<vmem>>
      %dma_start3A_149 = arith.constant 0 : i32
      %dma_start3A_150 = arith.constant 0 : i32
      %dma_start3A_151 = tpu.memref_slice %dma_start3A_148[%dma_start3A_143, %dma_start3A_149, %dma_start3A_150] : memref<16x50x32xf32, #tpu.memory_space<vmem>> -> memref<1x50x32xf32, #tpu.memory_space<vmem>>
      %dma_start3A_152 = tpu.memref_squeeze %dma_start3A_151 : memref<1x50x32xf32, #tpu.memory_space<vmem>> -> memref<50x32xf32, #tpu.memory_space<vmem>>
      %dma_start3A_153 = arith.constant 0 : i32
      %dma_start3A_154 = tpu.memref_slice %arg5[%add3A_141, %dma_start3A_153] : memref<512x50xi32, #tpu.memory_space<vmem>> -> memref<1x50xi32, #tpu.memory_space<vmem>>
      %dma_start3A_155 = tpu.memref_squeeze %dma_start3A_154 : memref<1x50xi32, #tpu.memory_space<vmem>> -> memref<50xi32, #tpu.memory_space<vmem>>
      %dma_start3A_156 = arith.constant 0 : i32
      %dma_start3A_157 = arith.constant 0 : i32
      %dma_start3A_158 = tpu.memref_slice %arg2[%dma_start3A_156, %dma_start3A_157] : memref<1000000x32xf32, #tpu.memory_space<hbm>> -> memref<1000000x32xf32, #tpu.memory_space<hbm>>
      tpu.enqueue_indirect_dma source(%dma_start3A_158 : memref<1000000x32xf32, #tpu.memory_space<hbm>>) target(%dma_start3A_152 : memref<50x32xf32, #tpu.memory_space<vmem>>) offsets(%dma_start3A_155 : memref<50xi32, #tpu.memory_space<vmem>>) semaphore(%arg7 : memref<!tpu.dma_semaphore, #tpu.memory_space<semaphore_mem>>)
      %mul3A_159 = arith.constant 16 : i32
      %mul3A_160 = arith.muli %add3A_51, %mul3A_159 : i32
      %add3A_161 = arith.constant 5 : i32
      %add3A_162 = arith.addi %mul3A_160, %add3A_161 : i32
      %dma_start3A_163 = arith.constant 0 : i32
      %dma_start3A_164 = arith.constant 5 : i32
      %dma_start3A_165 = arith.constant 0 : i32
      %dma_start3A_166 = arith.constant 0 : i32
      %dma_start3A_167 = arith.constant 0 : i32
      %dma_start3A_168 = tpu.memref_slice %arg6[%dma_start3A_163, %dma_start3A_165, %dma_start3A_166, %dma_start3A_167] : memref<2x16x50x32xf32, #tpu.memory_space<vmem>> -> memref<1x16x50x32xf32, #tpu.memory_space<vmem>>
      %dma_start3A_169 = tpu.memref_squeeze %dma_start3A_168 : memref<1x16x50x32xf32, #tpu.memory_space<vmem>> -> memref<16x50x32xf32, #tpu.memory_space<vmem>>
      %dma_start3A_170 = arith.constant 0 : i32
      %dma_start3A_171 = arith.constant 0 : i32
      %dma_start3A_172 = tpu.memref_slice %dma_start3A_169[%dma_start3A_164, %dma_start3A_170, %dma_start3A_171] : memref<16x50x32xf32, #tpu.memory_space<vmem>> -> memref<1x50x32xf32, #tpu.memory_space<vmem>>
      %dma_start3A_173 = tpu.memref_squeeze %dma_start3A_172 : memref<1x50x32xf32, #tpu.memory_space<vmem>> -> memref<50x32xf32, #tpu.memory_space<vmem>>
      %dma_start3A_174 = arith.constant 0 : i32
      %dma_start3A_175 = tpu.memref_slice %arg5[%add3A_162, %dma_start3A_174] : memref<512x50xi32, #tpu.memory_space<vmem>> -> memref<1x50xi32, #tpu.memory_space<vmem>>
      %dma_start3A_176 = tpu.memref_squeeze %dma_start3A_175 : memref<1x50xi32, #tpu.memory_space<vmem>> -> memref<50xi32, #tpu.memory_space<vmem>>
      %dma_start3A_177 = arith.constant 0 : i32
      %dma_start3A_178 = arith.constant 0 : i32
      %dma_start3A_179 = tpu.memref_slice %arg2[%dma_start3A_177, %dma_start3A_178] : memref<1000000x32xf32, #tpu.memory_space<hbm>> -> memref<1000000x32xf32, #tpu.memory_space<hbm>>
      tpu.enqueue_indirect_dma source(%dma_start3A_179 : memref<1000000x32xf32, #tpu.memory_space<hbm>>) target(%dma_start3A_173 : memref<50x32xf32, #tpu.memory_space<vmem>>) offsets(%dma_start3A_176 : memref<50xi32, #tpu.memory_space<vmem>>) semaphore(%arg7 : memref<!tpu.dma_semaphore, #tpu.memory_space<semaphore_mem>>)
      %mul3A_180 = arith.constant 16 : i32
      %mul3A_181 = arith.muli %add3A_51, %mul3A_180 : i32
      %add3A_182 = arith.constant 6 : i32
      %add3A_183 = arith.addi %mul3A_181, %add3A_182 : i32
      %dma_start3A_184 = arith.constant 0 : i32
      %dma_start3A_185 = arith.constant 6 : i32
      %dma_start3A_186 = arith.constant 0 : i32
      %dma_start3A_187 = arith.constant 0 : i32
      %dma_start3A_188 = arith.constant 0 : i32
      %dma_start3A_189 = tpu.memref_slice %arg6[%dma_start3A_184, %dma_start3A_186, %dma_start3A_187, %dma_start3A_188] : memref<2x16x50x32xf32, #tpu.memory_space<vmem>> -> memref<1x16x50x32xf32, #tpu.memory_space<vmem>>
      %dma_start3A_190 = tpu.memref_squeeze %dma_start3A_189 : memref<1x16x50x32xf32, #tpu.memory_space<vmem>> -> memref<16x50x32xf32, #tpu.memory_space<vmem>>
      %dma_start3A_191 = arith.constant 0 : i32
      %dma_start3A_192 = arith.constant 0 : i32
      %dma_start3A_193 = tpu.memref_slice %dma_start3A_190[%dma_start3A_185, %dma_start3A_191, %dma_start3A_192] : memref<16x50x32xf32, #tpu.memory_space<vmem>> -> memref<1x50x32xf32, #tpu.memory_space<vmem>>
      %dma_start3A_194 = tpu.memref_squeeze %dma_start3A_193 : memref<1x50x32xf32, #tpu.memory_space<vmem>> -> memref<50x32xf32, #tpu.memory_space<vmem>>
      %dma_start3A_195 = arith.constant 0 : i32
      %dma_start3A_196 = tpu.memref_slice %arg5[%add3A_183, %dma_start3A_195] : memref<512x50xi32, #tpu.memory_space<vmem>> -> memref<1x50xi32, #tpu.memory_space<vmem>>
      %dma_start3A_197 = tpu.memref_squeeze %dma_start3A_196 : memref<1x50xi32, #tpu.memory_space<vmem>> -> memref<50xi32, #tpu.memory_space<vmem>>
      %dma_start3A_198 = arith.constant 0 : i32
      %dma_start3A_199 = arith.constant 0 : i32
      %dma_start3A_200 = tpu.memref_slice %arg2[%dma_start3A_198, %dma_start3A_199] : memref<1000000x32xf32, #tpu.memory_space<hbm>> -> memref<1000000x32xf32, #tpu.memory_space<hbm>>
      tpu.enqueue_indirect_dma source(%dma_start3A_200 : memref<1000000x32xf32, #tpu.memory_space<hbm>>) target(%dma_start3A_194 : memref<50x32xf32, #tpu.memory_space<vmem>>) offsets(%dma_start3A_197 : memref<50xi32, #tpu.memory_space<vmem>>) semaphore(%arg7 : memref<!tpu.dma_semaphore, #tpu.memory_space<semaphore_mem>>)
      %mul3A_201 = arith.constant 16 : i32
      %mul3A_202 = arith.muli %add3A_51, %mul3A_201 : i32
      %add3A_203 = arith.constant 7 : i32
      %add3A_204 = arith.addi %mul3A_202, %add3A_203 : i32
      %dma_start3A_205 = arith.constant 0 : i32
      %dma_start3A_206 = arith.constant 7 : i32
      %dma_start3A_207 = arith.constant 0 : i32
      %dma_start3A_208 = arith.constant 0 : i32
      %dma_start3A_209 = arith.constant 0 : i32
      %dma_start3A_210 = tpu.memref_slice %arg6[%dma_start3A_205, %dma_start3A_207, %dma_start3A_208, %dma_start3A_209] : memref<2x16x50x32xf32, #tpu.memory_space<vmem>> -> memref<1x16x50x32xf32, #tpu.memory_space<vmem>>
      %dma_start3A_211 = tpu.memref_squeeze %dma_start3A_210 : memref<1x16x50x32xf32, #tpu.memory_space<vmem>> -> memref<16x50x32xf32, #tpu.memory_space<vmem>>
      %dma_start3A_212 = arith.constant 0 : i32
      %dma_start3A_213 = arith.constant 0 : i32
      %dma_start3A_214 = tpu.memref_slice %dma_start3A_211[%dma_start3A_206, %dma_start3A_212, %dma_start3A_213] : memref<16x50x32xf32, #tpu.memory_space<vmem>> -> memref<1x50x32xf32, #tpu.memory_space<vmem>>
      %dma_start3A_215 = tpu.memref_squeeze %dma_start3A_214 : memref<1x50x32xf32, #tpu.memory_space<vmem>> -> memref<50x32xf32, #tpu.memory_space<vmem>>
      %dma_start3A_216 = arith.constant 0 : i32
      %dma_start3A_217 = tpu.memref_slice %arg5[%add3A_204, %dma_start3A_216] : memref<512x50xi32, #tpu.memory_space<vmem>> -> memref<1x50xi32, #tpu.memory_space<vmem>>
      %dma_start3A_218 = tpu.memref_squeeze %dma_start3A_217 : memref<1x50xi32, #tpu.memory_space<vmem>> -> memref<50xi32, #tpu.memory_space<vmem>>
      %dma_start3A_219 = arith.constant 0 : i32
      %dma_start3A_220 = arith.constant 0 : i32
      %dma_start3A_221 = tpu.memref_slice %arg2[%dma_start3A_219, %dma_start3A_220] : memref<1000000x32xf32, #tpu.memory_space<hbm>> -> memref<1000000x32xf32, #tpu.memory_space<hbm>>
      tpu.enqueue_indirect_dma source(%dma_start3A_221 : memref<1000000x32xf32, #tpu.memory_space<hbm>>) target(%dma_start3A_215 : memref<50x32xf32, #tpu.memory_space<vmem>>) offsets(%dma_start3A_218 : memref<50xi32, #tpu.memory_space<vmem>>) semaphore(%arg7 : memref<!tpu.dma_semaphore, #tpu.memory_space<semaphore_mem>>)
      %mul3A_222 = arith.constant 16 : i32
      %mul3A_223 = arith.muli %add3A_51, %mul3A_222 : i32
      %add3A_224 = arith.constant 8 : i32
      %add3A_225 = arith.addi %mul3A_223, %add3A_224 : i32
      %dma_start3A_226 = arith.constant 0 : i32
      %dma_start3A_227 = arith.constant 8 : i32
      %dma_start3A_228 = arith.constant 0 : i32
      %dma_start3A_229 = arith.constant 0 : i32
      %dma_start3A_230 = arith.constant 0 : i32
      %dma_start3A_231 = tpu.memref_slice %arg6[%dma_start3A_226, %dma_start3A_228, %dma_start3A_229, %dma_start3A_230] : memref<2x16x50x32xf32, #tpu.memory_space<vmem>> -> memref<1x16x50x32xf32, #tpu.memory_space<vmem>>
      %dma_start3A_232 = tpu.memref_squeeze %dma_start3A_231 : memref<1x16x50x32xf32, #tpu.memory_space<vmem>> -> memref<16x50x32xf32, #tpu.memory_space<vmem>>
      %dma_start3A_233 = arith.constant 0 : i32
      %dma_start3A_234 = arith.constant 0 : i32
      %dma_start3A_235 = tpu.memref_slice %dma_start3A_232[%dma_start3A_227, %dma_start3A_233, %dma_start3A_234] : memref<16x50x32xf32, #tpu.memory_space<vmem>> -> memref<1x50x32xf32, #tpu.memory_space<vmem>>
      %dma_start3A_236 = tpu.memref_squeeze %dma_start3A_235 : memref<1x50x32xf32, #tpu.memory_space<vmem>> -> memref<50x32xf32, #tpu.memory_space<vmem>>
      %dma_start3A_237 = arith.constant 0 : i32
      %dma_start3A_238 = tpu.memref_slice %arg5[%add3A_225, %dma_start3A_237] : memref<512x50xi32, #tpu.memory_space<vmem>> -> memref<1x50xi32, #tpu.memory_space<vmem>>
      %dma_start3A_239 = tpu.memref_squeeze %dma_start3A_238 : memref<1x50xi32, #tpu.memory_space<vmem>> -> memref<50xi32, #tpu.memory_space<vmem>>
      %dma_start3A_240 = arith.constant 0 : i32
      %dma_start3A_241 = arith.constant 0 : i32
      %dma_start3A_242 = tpu.memref_slice %arg2[%dma_start3A_240, %dma_start3A_241] : memref<1000000x32xf32, #tpu.memory_space<hbm>> -> memref<1000000x32xf32, #tpu.memory_space<hbm>>
      tpu.enqueue_indirect_dma source(%dma_start3A_242 : memref<1000000x32xf32, #tpu.memory_space<hbm>>) target(%dma_start3A_236 : memref<50x32xf32, #tpu.memory_space<vmem>>) offsets(%dma_start3A_239 : memref<50xi32, #tpu.memory_space<vmem>>) semaphore(%arg7 : memref<!tpu.dma_semaphore, #tpu.memory_space<semaphore_mem>>)
      %mul3A_243 = arith.constant 16 : i32
      %mul3A_244 = arith.muli %add3A_51, %mul3A_243 : i32
      %add3A_245 = arith.constant 9 : i32
      %add3A_246 = arith.addi %mul3A_244, %add3A_245 : i32
      %dma_start3A_247 = arith.constant 0 : i32
      %dma_start3A_248 = arith.constant 9 : i32
      %dma_start3A_249 = arith.constant 0 : i32
      %dma_start3A_250 = arith.constant 0 : i32
      %dma_start3A_251 = arith.constant 0 : i32
      %dma_start3A_252 = tpu.memref_slice %arg6[%dma_start3A_247, %dma_start3A_249, %dma_start3A_250, %dma_start3A_251] : memref<2x16x50x32xf32, #tpu.memory_space<vmem>> -> memref<1x16x50x32xf32, #tpu.memory_space<vmem>>
      %dma_start3A_253 = tpu.memref_squeeze %dma_start3A_252 : memref<1x16x50x32xf32, #tpu.memory_space<vmem>> -> memref<16x50x32xf32, #tpu.memory_space<vmem>>
      %dma_start3A_254 = arith.constant 0 : i32
      %dma_start3A_255 = arith.constant 0 : i32
      %dma_start3A_256 = tpu.memref_slice %dma_start3A_253[%dma_start3A_248, %dma_start3A_254, %dma_start3A_255] : memref<16x50x32xf32, #tpu.memory_space<vmem>> -> memref<1x50x32xf32, #tpu.memory_space<vmem>>
      %dma_start3A_257 = tpu.memref_squeeze %dma_start3A_256 : memref<1x50x32xf32, #tpu.memory_space<vmem>> -> memref<50x32xf32, #tpu.memory_space<vmem>>
      %dma_start3A_258 = arith.constant 0 : i32
      %dma_start3A_259 = tpu.memref_slice %arg5[%add3A_246, %dma_start3A_258] : memref<512x50xi32, #tpu.memory_space<vmem>> -> memref<1x50xi32, #tpu.memory_space<vmem>>
      %dma_start3A_260 = tpu.memref_squeeze %dma_start3A_259 : memref<1x50xi32, #tpu.memory_space<vmem>> -> memref<50xi32, #tpu.memory_space<vmem>>
      %dma_start3A_261 = arith.constant 0 : i32
      %dma_start3A_262 = arith.constant 0 : i32
      %dma_start3A_263 = tpu.memref_slice %arg2[%dma_start3A_261, %dma_start3A_262] : memref<1000000x32xf32, #tpu.memory_space<hbm>> -> memref<1000000x32xf32, #tpu.memory_space<hbm>>
      tpu.enqueue_indirect_dma source(%dma_start3A_263 : memref<1000000x32xf32, #tpu.memory_space<hbm>>) target(%dma_start3A_257 : memref<50x32xf32, #tpu.memory_space<vmem>>) offsets(%dma_start3A_260 : memref<50xi32, #tpu.memory_space<vmem>>) semaphore(%arg7 : memref<!tpu.dma_semaphore, #tpu.memory_space<semaphore_mem>>)
      %mul3A_264 = arith.constant 16 : i32
      %mul3A_265 = arith.muli %add3A_51, %mul3A_264 : i32
      %add3A_266 = arith.constant 10 : i32
      %add3A_267 = arith.addi %mul3A_265, %add3A_266 : i32
      %dma_start3A_268 = arith.constant 0 : i32
      %dma_start3A_269 = arith.constant 10 : i32
      %dma_start3A_270 = arith.constant 0 : i32
      %dma_start3A_271 = arith.constant 0 : i32
      %dma_start3A_272 = arith.constant 0 : i32
      %dma_start3A_273 = tpu.memref_slice %arg6[%dma_start3A_268, %dma_start3A_270, %dma_start3A_271, %dma_start3A_272] : memref<2x16x50x32xf32, #tpu.memory_space<vmem>> -> memref<1x16x50x32xf32, #tpu.memory_space<vmem>>
      %dma_start3A_274 = tpu.memref_squeeze %dma_start3A_273 : memref<1x16x50x32xf32, #tpu.memory_space<vmem>> -> memref<16x50x32xf32, #tpu.memory_space<vmem>>
      %dma_start3A_275 = arith.constant 0 : i32
      %dma_start3A_276 = arith.constant 0 : i32
      %dma_start3A_277 = tpu.memref_slice %dma_start3A_274[%dma_start3A_269, %dma_start3A_275, %dma_start3A_276] : memref<16x50x32xf32, #tpu.memory_space<vmem>> -> memref<1x50x32xf32, #tpu.memory_space<vmem>>
      %dma_start3A_278 = tpu.memref_squeeze %dma_start3A_277 : memref<1x50x32xf32, #tpu.memory_space<vmem>> -> memref<50x32xf32, #tpu.memory_space<vmem>>
      %dma_start3A_279 = arith.constant 0 : i32
      %dma_start3A_280 = tpu.memref_slice %arg5[%add3A_267, %dma_start3A_279] : memref<512x50xi32, #tpu.memory_space<vmem>> -> memref<1x50xi32, #tpu.memory_space<vmem>>
      %dma_start3A_281 = tpu.memref_squeeze %dma_start3A_280 : memref<1x50xi32, #tpu.memory_space<vmem>> -> memref<50xi32, #tpu.memory_space<vmem>>
      %dma_start3A_282 = arith.constant 0 : i32
      %dma_start3A_283 = arith.constant 0 : i32
      %dma_start3A_284 = tpu.memref_slice %arg2[%dma_start3A_282, %dma_start3A_283] : memref<1000000x32xf32, #tpu.memory_space<hbm>> -> memref<1000000x32xf32, #tpu.memory_space<hbm>>
      tpu.enqueue_indirect_dma source(%dma_start3A_284 : memref<1000000x32xf32, #tpu.memory_space<hbm>>) target(%dma_start3A_278 : memref<50x32xf32, #tpu.memory_space<vmem>>) offsets(%dma_start3A_281 : memref<50xi32, #tpu.memory_space<vmem>>) semaphore(%arg7 : memref<!tpu.dma_semaphore, #tpu.memory_space<semaphore_mem>>)
      %mul3A_285 = arith.constant 16 : i32
      %mul3A_286 = arith.muli %add3A_51, %mul3A_285 : i32
      %add3A_287 = arith.constant 11 : i32
      %add3A_288 = arith.addi %mul3A_286, %add3A_287 : i32
      %dma_start3A_289 = arith.constant 0 : i32
      %dma_start3A_290 = arith.constant 11 : i32
      %dma_start3A_291 = arith.constant 0 : i32
      %dma_start3A_292 = arith.constant 0 : i32
      %dma_start3A_293 = arith.constant 0 : i32
      %dma_start3A_294 = tpu.memref_slice %arg6[%dma_start3A_289, %dma_start3A_291, %dma_start3A_292, %dma_start3A_293] : memref<2x16x50x32xf32, #tpu.memory_space<vmem>> -> memref<1x16x50x32xf32, #tpu.memory_space<vmem>>
      %dma_start3A_295 = tpu.memref_squeeze %dma_start3A_294 : memref<1x16x50x32xf32, #tpu.memory_space<vmem>> -> memref<16x50x32xf32, #tpu.memory_space<vmem>>
      %dma_start3A_296 = arith.constant 0 : i32
      %dma_start3A_297 = arith.constant 0 : i32
      %dma_start3A_298 = tpu.memref_slice %dma_start3A_295[%dma_start3A_290, %dma_start3A_296, %dma_start3A_297] : memref<16x50x32xf32, #tpu.memory_space<vmem>> -> memref<1x50x32xf32, #tpu.memory_space<vmem>>
      %dma_start3A_299 = tpu.memref_squeeze %dma_start3A_298 : memref<1x50x32xf32, #tpu.memory_space<vmem>> -> memref<50x32xf32, #tpu.memory_space<vmem>>
      %dma_start3A_300 = arith.constant 0 : i32
      %dma_start3A_301 = tpu.memref_slice %arg5[%add3A_288, %dma_start3A_300] : memref<512x50xi32, #tpu.memory_space<vmem>> -> memref<1x50xi32, #tpu.memory_space<vmem>>
      %dma_start3A_302 = tpu.memref_squeeze %dma_start3A_301 : memref<1x50xi32, #tpu.memory_space<vmem>> -> memref<50xi32, #tpu.memory_space<vmem>>
      %dma_start3A_303 = arith.constant 0 : i32
      %dma_start3A_304 = arith.constant 0 : i32
      %dma_start3A_305 = tpu.memref_slice %arg2[%dma_start3A_303, %dma_start3A_304] : memref<1000000x32xf32, #tpu.memory_space<hbm>> -> memref<1000000x32xf32, #tpu.memory_space<hbm>>
      tpu.enqueue_indirect_dma source(%dma_start3A_305 : memref<1000000x32xf32, #tpu.memory_space<hbm>>) target(%dma_start3A_299 : memref<50x32xf32, #tpu.memory_space<vmem>>) offsets(%dma_start3A_302 : memref<50xi32, #tpu.memory_space<vmem>>) semaphore(%arg7 : memref<!tpu.dma_semaphore, #tpu.memory_space<semaphore_mem>>)
      %mul3A_306 = arith.constant 16 : i32
      %mul3A_307 = arith.muli %add3A_51, %mul3A_306 : i32
      %add3A_308 = arith.constant 12 : i32
      %add3A_309 = arith.addi %mul3A_307, %add3A_308 : i32
      %dma_start3A_310 = arith.constant 0 : i32
      %dma_start3A_311 = arith.constant 12 : i32
      %dma_start3A_312 = arith.constant 0 : i32
      %dma_start3A_313 = arith.constant 0 : i32
      %dma_start3A_314 = arith.constant 0 : i32
      %dma_start3A_315 = tpu.memref_slice %arg6[%dma_start3A_310, %dma_start3A_312, %dma_start3A_313, %dma_start3A_314] : memref<2x16x50x32xf32, #tpu.memory_space<vmem>> -> memref<1x16x50x32xf32, #tpu.memory_space<vmem>>
      %dma_start3A_316 = tpu.memref_squeeze %dma_start3A_315 : memref<1x16x50x32xf32, #tpu.memory_space<vmem>> -> memref<16x50x32xf32, #tpu.memory_space<vmem>>
      %dma_start3A_317 = arith.constant 0 : i32
      %dma_start3A_318 = arith.constant 0 : i32
      %dma_start3A_319 = tpu.memref_slice %dma_start3A_316[%dma_start3A_311, %dma_start3A_317, %dma_start3A_318] : memref<16x50x32xf32, #tpu.memory_space<vmem>> -> memref<1x50x32xf32, #tpu.memory_space<vmem>>
      %dma_start3A_320 = tpu.memref_squeeze %dma_start3A_319 : memref<1x50x32xf32, #tpu.memory_space<vmem>> -> memref<50x32xf32, #tpu.memory_space<vmem>>
      %dma_start3A_321 = arith.constant 0 : i32
      %dma_start3A_322 = tpu.memref_slice %arg5[%add3A_309, %dma_start3A_321] : memref<512x50xi32, #tpu.memory_space<vmem>> -> memref<1x50xi32, #tpu.memory_space<vmem>>
      %dma_start3A_323 = tpu.memref_squeeze %dma_start3A_322 : memref<1x50xi32, #tpu.memory_space<vmem>> -> memref<50xi32, #tpu.memory_space<vmem>>
      %dma_start3A_324 = arith.constant 0 : i32
      %dma_start3A_325 = arith.constant 0 : i32
      %dma_start3A_326 = tpu.memref_slice %arg2[%dma_start3A_324, %dma_start3A_325] : memref<1000000x32xf32, #tpu.memory_space<hbm>> -> memref<1000000x32xf32, #tpu.memory_space<hbm>>
      tpu.enqueue_indirect_dma source(%dma_start3A_326 : memref<1000000x32xf32, #tpu.memory_space<hbm>>) target(%dma_start3A_320 : memref<50x32xf32, #tpu.memory_space<vmem>>) offsets(%dma_start3A_323 : memref<50xi32, #tpu.memory_space<vmem>>) semaphore(%arg7 : memref<!tpu.dma_semaphore, #tpu.memory_space<semaphore_mem>>)
      %mul3A_327 = arith.constant 16 : i32
      %mul3A_328 = arith.muli %add3A_51, %mul3A_327 : i32
      %add3A_329 = arith.constant 13 : i32
      %add3A_330 = arith.addi %mul3A_328, %add3A_329 : i32
      %dma_start3A_331 = arith.constant 0 : i32
      %dma_start3A_332 = arith.constant 13 : i32
      %dma_start3A_333 = arith.constant 0 : i32
      %dma_start3A_334 = arith.constant 0 : i32
      %dma_start3A_335 = arith.constant 0 : i32
      %dma_start3A_336 = tpu.memref_slice %arg6[%dma_start3A_331, %dma_start3A_333, %dma_start3A_334, %dma_start3A_335] : memref<2x16x50x32xf32, #tpu.memory_space<vmem>> -> memref<1x16x50x32xf32, #tpu.memory_space<vmem>>
      %dma_start3A_337 = tpu.memref_squeeze %dma_start3A_336 : memref<1x16x50x32xf32, #tpu.memory_space<vmem>> -> memref<16x50x32xf32, #tpu.memory_space<vmem>>
      %dma_start3A_338 = arith.constant 0 : i32
      %dma_start3A_339 = arith.constant 0 : i32
      %dma_start3A_340 = tpu.memref_slice %dma_start3A_337[%dma_start3A_332, %dma_start3A_338, %dma_start3A_339] : memref<16x50x32xf32, #tpu.memory_space<vmem>> -> memref<1x50x32xf32, #tpu.memory_space<vmem>>
      %dma_start3A_341 = tpu.memref_squeeze %dma_start3A_340 : memref<1x50x32xf32, #tpu.memory_space<vmem>> -> memref<50x32xf32, #tpu.memory_space<vmem>>
      %dma_start3A_342 = arith.constant 0 : i32
      %dma_start3A_343 = tpu.memref_slice %arg5[%add3A_330, %dma_start3A_342] : memref<512x50xi32, #tpu.memory_space<vmem>> -> memref<1x50xi32, #tpu.memory_space<vmem>>
      %dma_start3A_344 = tpu.memref_squeeze %dma_start3A_343 : memref<1x50xi32, #tpu.memory_space<vmem>> -> memref<50xi32, #tpu.memory_space<vmem>>
      %dma_start3A_345 = arith.constant 0 : i32
      %dma_start3A_346 = arith.constant 0 : i32
      %dma_start3A_347 = tpu.memref_slice %arg2[%dma_start3A_345, %dma_start3A_346] : memref<1000000x32xf32, #tpu.memory_space<hbm>> -> memref<1000000x32xf32, #tpu.memory_space<hbm>>
      tpu.enqueue_indirect_dma source(%dma_start3A_347 : memref<1000000x32xf32, #tpu.memory_space<hbm>>) target(%dma_start3A_341 : memref<50x32xf32, #tpu.memory_space<vmem>>) offsets(%dma_start3A_344 : memref<50xi32, #tpu.memory_space<vmem>>) semaphore(%arg7 : memref<!tpu.dma_semaphore, #tpu.memory_space<semaphore_mem>>)
      %mul3A_348 = arith.constant 16 : i32
      %mul3A_349 = arith.muli %add3A_51, %mul3A_348 : i32
      %add3A_350 = arith.constant 14 : i32
      %add3A_351 = arith.addi %mul3A_349, %add3A_350 : i32
      %dma_start3A_352 = arith.constant 0 : i32
      %dma_start3A_353 = arith.constant 14 : i32
      %dma_start3A_354 = arith.constant 0 : i32
      %dma_start3A_355 = arith.constant 0 : i32
      %dma_start3A_356 = arith.constant 0 : i32
      %dma_start3A_357 = tpu.memref_slice %arg6[%dma_start3A_352, %dma_start3A_354, %dma_start3A_355, %dma_start3A_356] : memref<2x16x50x32xf32, #tpu.memory_space<vmem>> -> memref<1x16x50x32xf32, #tpu.memory_space<vmem>>
      %dma_start3A_358 = tpu.memref_squeeze %dma_start3A_357 : memref<1x16x50x32xf32, #tpu.memory_space<vmem>> -> memref<16x50x32xf32, #tpu.memory_space<vmem>>
      %dma_start3A_359 = arith.constant 0 : i32
      %dma_start3A_360 = arith.constant 0 : i32
      %dma_start3A_361 = tpu.memref_slice %dma_start3A_358[%dma_start3A_353, %dma_start3A_359, %dma_start3A_360] : memref<16x50x32xf32, #tpu.memory_space<vmem>> -> memref<1x50x32xf32, #tpu.memory_space<vmem>>
      %dma_start3A_362 = tpu.memref_squeeze %dma_start3A_361 : memref<1x50x32xf32, #tpu.memory_space<vmem>> -> memref<50x32xf32, #tpu.memory_space<vmem>>
      %dma_start3A_363 = arith.constant 0 : i32
      %dma_start3A_364 = tpu.memref_slice %arg5[%add3A_351, %dma_start3A_363] : memref<512x50xi32, #tpu.memory_space<vmem>> -> memref<1x50xi32, #tpu.memory_space<vmem>>
      %dma_start3A_365 = tpu.memref_squeeze %dma_start3A_364 : memref<1x50xi32, #tpu.memory_space<vmem>> -> memref<50xi32, #tpu.memory_space<vmem>>
      %dma_start3A_366 = arith.constant 0 : i32
      %dma_start3A_367 = arith.constant 0 : i32
      %dma_start3A_368 = tpu.memref_slice %arg2[%dma_start3A_366, %dma_start3A_367] : memref<1000000x32xf32, #tpu.memory_space<hbm>> -> memref<1000000x32xf32, #tpu.memory_space<hbm>>
      tpu.enqueue_indirect_dma source(%dma_start3A_368 : memref<1000000x32xf32, #tpu.memory_space<hbm>>) target(%dma_start3A_362 : memref<50x32xf32, #tpu.memory_space<vmem>>) offsets(%dma_start3A_365 : memref<50xi32, #tpu.memory_space<vmem>>) semaphore(%arg7 : memref<!tpu.dma_semaphore, #tpu.memory_space<semaphore_mem>>)
      %mul3A_369 = arith.constant 16 : i32
      %mul3A_370 = arith.muli %add3A_51, %mul3A_369 : i32
      %add3A_371 = arith.constant 15 : i32
      %add3A_372 = arith.addi %mul3A_370, %add3A_371 : i32
      %dma_start3A_373 = arith.constant 0 : i32
      %dma_start3A_374 = arith.constant 15 : i32
      %dma_start3A_375 = arith.constant 0 : i32
      %dma_start3A_376 = arith.constant 0 : i32
      %dma_start3A_377 = arith.constant 0 : i32
      %dma_start3A_378 = tpu.memref_slice %arg6[%dma_start3A_373, %dma_start3A_375, %dma_start3A_376, %dma_start3A_377] : memref<2x16x50x32xf32, #tpu.memory_space<vmem>> -> memref<1x16x50x32xf32, #tpu.memory_space<vmem>>
      %dma_start3A_379 = tpu.memref_squeeze %dma_start3A_378 : memref<1x16x50x32xf32, #tpu.memory_space<vmem>> -> memref<16x50x32xf32, #tpu.memory_space<vmem>>
      %dma_start3A_380 = arith.constant 0 : i32
      %dma_start3A_381 = arith.constant 0 : i32
      %dma_start3A_382 = tpu.memref_slice %dma_start3A_379[%dma_start3A_374, %dma_start3A_380, %dma_start3A_381] : memref<16x50x32xf32, #tpu.memory_space<vmem>> -> memref<1x50x32xf32, #tpu.memory_space<vmem>>
      %dma_start3A_383 = tpu.memref_squeeze %dma_start3A_382 : memref<1x50x32xf32, #tpu.memory_space<vmem>> -> memref<50x32xf32, #tpu.memory_space<vmem>>
      %dma_start3A_384 = arith.constant 0 : i32
      %dma_start3A_385 = tpu.memref_slice %arg5[%add3A_372, %dma_start3A_384] : memref<512x50xi32, #tpu.memory_space<vmem>> -> memref<1x50xi32, #tpu.memory_space<vmem>>
      %dma_start3A_386 = tpu.memref_squeeze %dma_start3A_385 : memref<1x50xi32, #tpu.memory_space<vmem>> -> memref<50xi32, #tpu.memory_space<vmem>>
      %dma_start3A_387 = arith.constant 0 : i32
      %dma_start3A_388 = arith.constant 0 : i32
      %dma_start3A_389 = tpu.memref_slice %arg2[%dma_start3A_387, %dma_start3A_388] : memref<1000000x32xf32, #tpu.memory_space<hbm>> -> memref<1000000x32xf32, #tpu.memory_space<hbm>>
      tpu.enqueue_indirect_dma source(%dma_start3A_389 : memref<1000000x32xf32, #tpu.memory_space<hbm>>) target(%dma_start3A_383 : memref<50x32xf32, #tpu.memory_space<vmem>>) offsets(%dma_start3A_386 : memref<50xi32, #tpu.memory_space<vmem>>) semaphore(%arg7 : memref<!tpu.dma_semaphore, #tpu.memory_space<semaphore_mem>>)
      %mul3A_390 = arith.constant 2 : i32
      %mul3A_391 = arith.muli %mul3A_390, %scan3A_46 : i32
      %add3A_392 = arith.constant 1 : i32
      %add3A_393 = arith.addi %mul3A_391, %add3A_392 : i32
      %gt3A_394 = arith.constant 0 : i32
      %gt3A_395 = arith.cmpi sgt, %scan3A_46, %gt3A_394 : i32
      %convert_element_type3A_396 = arith.extui %gt3A_395 : i1 to i32
      %cond3A_397 = arith.constant 1 : i32
      %cond3A_398 = arith.constant 0 : i32
      %cond3A_399 = arith.cmpi ne, %convert_element_type3A_396, %cond3A_398 : i32
      scf.if %cond3A_399 {
        %dma_wait3A_823 = arith.constant 0 : i32
        %dma_wait3A_824 = arith.constant 0 : i32
        %dma_wait3A_825 = arith.constant 0 : i32
        %dma_wait3A_826 = tpu.memref_slice %arg6[%cond3A_397, %dma_wait3A_823, %dma_wait3A_824, %dma_wait3A_825] : memref<2x16x50x32xf32, #tpu.memory_space<vmem>> -> memref<1x16x50x32xf32, #tpu.memory_space<vmem>>
        %dma_wait3A_827 = tpu.memref_squeeze %dma_wait3A_826 : memref<1x16x50x32xf32, #tpu.memory_space<vmem>> -> memref<16x50x32xf32, #tpu.memory_space<vmem>>
        %dma_wait3A_828 = arith.constant 0 : i32
        %dma_wait3A_829 = arith.constant 0 : i32
        %dma_wait3A_830 = arith.constant 0 : i32
        %dma_wait3A_831 = tpu.memref_slice %arg4[%dma_wait3A_828, %dma_wait3A_829, %dma_wait3A_830] : memref<16384x50x32xf32, #tpu.memory_space<hbm>> -> memref<16x50x32xf32, #tpu.memory_space<hbm>>
        %dma_wait3A_832 = arith.constant 0 : i32
        %dma_wait3A_833 = arith.constant 0 : i32
        %dma_wait3A_834 = arith.constant 0 : i32
        %dma_wait3A_835 = tpu.memref_slice %arg6[%cond3A_397, %dma_wait3A_832, %dma_wait3A_833, %dma_wait3A_834] : memref<2x16x50x32xf32, #tpu.memory_space<vmem>> -> memref<1x16x50x32xf32, #tpu.memory_space<vmem>>
        %dma_wait3A_836 = tpu.memref_squeeze %dma_wait3A_835 : memref<1x16x50x32xf32, #tpu.memory_space<vmem>> -> memref<16x50x32xf32, #tpu.memory_space<vmem>>
        %dma_wait3A_837 = arith.constant 0 : i32
        %dma_wait3A_838 = arith.constant 0 : i32
        %dma_wait3A_839 = arith.constant 0 : i32
        %dma_wait3A_840 = tpu.memref_slice %arg4[%dma_wait3A_837, %dma_wait3A_838, %dma_wait3A_839] : memref<16384x50x32xf32, #tpu.memory_space<hbm>> -> memref<16x50x32xf32, #tpu.memory_space<hbm>>
        tpu.wait_dma2 semaphore(%arg10 : memref<!tpu.dma_semaphore, #tpu.memory_space<semaphore_mem>>) src(%dma_wait3A_840 : memref<16x50x32xf32, #tpu.memory_space<hbm>>) dst(%dma_wait3A_836 : memref<16x50x32xf32, #tpu.memory_space<vmem>>)
      } else {
      }
      %mul3A_400 = arith.constant 16 : i32
      %mul3A_401 = arith.muli %add3A_393, %mul3A_400 : i32
      %add3A_402 = arith.constant 0 : i32
      %add3A_403 = arith.addi %mul3A_401, %add3A_402 : i32
      %dma_start3A_404 = arith.constant 1 : i32
      %dma_start3A_405 = arith.constant 0 : i32
      %dma_start3A_406 = arith.constant 0 : i32
      %dma_start3A_407 = arith.constant 0 : i32
      %dma_start3A_408 = arith.constant 0 : i32
      %dma_start3A_409 = tpu.memref_slice %arg6[%dma_start3A_404, %dma_start3A_406, %dma_start3A_407, %dma_start3A_408] : memref<2x16x50x32xf32, #tpu.memory_space<vmem>> -> memref<1x16x50x32xf32, #tpu.memory_space<vmem>>
      %dma_start3A_410 = tpu.memref_squeeze %dma_start3A_409 : memref<1x16x50x32xf32, #tpu.memory_space<vmem>> -> memref<16x50x32xf32, #tpu.memory_space<vmem>>
      %dma_start3A_411 = arith.constant 0 : i32
      %dma_start3A_412 = arith.constant 0 : i32
      %dma_start3A_413 = tpu.memref_slice %dma_start3A_410[%dma_start3A_405, %dma_start3A_411, %dma_start3A_412] : memref<16x50x32xf32, #tpu.memory_space<vmem>> -> memref<1x50x32xf32, #tpu.memory_space<vmem>>
      %dma_start3A_414 = tpu.memref_squeeze %dma_start3A_413 : memref<1x50x32xf32, #tpu.memory_space<vmem>> -> memref<50x32xf32, #tpu.memory_space<vmem>>
      %dma_start3A_415 = arith.constant 0 : i32
      %dma_start3A_416 = tpu.memref_slice %arg5[%add3A_403, %dma_start3A_415] : memref<512x50xi32, #tpu.memory_space<vmem>> -> memref<1x50xi32, #tpu.memory_space<vmem>>
      %dma_start3A_417 = tpu.memref_squeeze %dma_start3A_416 : memref<1x50xi32, #tpu.memory_space<vmem>> -> memref<50xi32, #tpu.memory_space<vmem>>
      %dma_start3A_418 = arith.constant 0 : i32
      %dma_start3A_419 = arith.constant 0 : i32
      %dma_start3A_420 = tpu.memref_slice %arg2[%dma_start3A_418, %dma_start3A_419] : memref<1000000x32xf32, #tpu.memory_space<hbm>> -> memref<1000000x32xf32, #tpu.memory_space<hbm>>
      tpu.enqueue_indirect_dma source(%dma_start3A_420 : memref<1000000x32xf32, #tpu.memory_space<hbm>>) target(%dma_start3A_414 : memref<50x32xf32, #tpu.memory_space<vmem>>) offsets(%dma_start3A_417 : memref<50xi32, #tpu.memory_space<vmem>>) semaphore(%arg8 : memref<!tpu.dma_semaphore, #tpu.memory_space<semaphore_mem>>)
      %mul3A_421 = arith.constant 16 : i32
      %mul3A_422 = arith.muli %add3A_393, %mul3A_421 : i32
      %add3A_423 = arith.constant 1 : i32
      %add3A_424 = arith.addi %mul3A_422, %add3A_423 : i32
      %dma_start3A_425 = arith.constant 1 : i32
      %dma_start3A_426 = arith.constant 1 : i32
      %dma_start3A_427 = arith.constant 0 : i32
      %dma_start3A_428 = arith.constant 0 : i32
      %dma_start3A_429 = arith.constant 0 : i32
      %dma_start3A_430 = tpu.memref_slice %arg6[%dma_start3A_425, %dma_start3A_427, %dma_start3A_428, %dma_start3A_429] : memref<2x16x50x32xf32, #tpu.memory_space<vmem>> -> memref<1x16x50x32xf32, #tpu.memory_space<vmem>>
      %dma_start3A_431 = tpu.memref_squeeze %dma_start3A_430 : memref<1x16x50x32xf32, #tpu.memory_space<vmem>> -> memref<16x50x32xf32, #tpu.memory_space<vmem>>
      %dma_start3A_432 = arith.constant 0 : i32
      %dma_start3A_433 = arith.constant 0 : i32
      %dma_start3A_434 = tpu.memref_slice %dma_start3A_431[%dma_start3A_426, %dma_start3A_432, %dma_start3A_433] : memref<16x50x32xf32, #tpu.memory_space<vmem>> -> memref<1x50x32xf32, #tpu.memory_space<vmem>>
      %dma_start3A_435 = tpu.memref_squeeze %dma_start3A_434 : memref<1x50x32xf32, #tpu.memory_space<vmem>> -> memref<50x32xf32, #tpu.memory_space<vmem>>
      %dma_start3A_436 = arith.constant 0 : i32
      %dma_start3A_437 = tpu.memref_slice %arg5[%add3A_424, %dma_start3A_436] : memref<512x50xi32, #tpu.memory_space<vmem>> -> memref<1x50xi32, #tpu.memory_space<vmem>>
      %dma_start3A_438 = tpu.memref_squeeze %dma_start3A_437 : memref<1x50xi32, #tpu.memory_space<vmem>> -> memref<50xi32, #tpu.memory_space<vmem>>
      %dma_start3A_439 = arith.constant 0 : i32
      %dma_start3A_440 = arith.constant 0 : i32
      %dma_start3A_441 = tpu.memref_slice %arg2[%dma_start3A_439, %dma_start3A_440] : memref<1000000x32xf32, #tpu.memory_space<hbm>> -> memref<1000000x32xf32, #tpu.memory_space<hbm>>
      tpu.enqueue_indirect_dma source(%dma_start3A_441 : memref<1000000x32xf32, #tpu.memory_space<hbm>>) target(%dma_start3A_435 : memref<50x32xf32, #tpu.memory_space<vmem>>) offsets(%dma_start3A_438 : memref<50xi32, #tpu.memory_space<vmem>>) semaphore(%arg8 : memref<!tpu.dma_semaphore, #tpu.memory_space<semaphore_mem>>)
      %mul3A_442 = arith.constant 16 : i32
      %mul3A_443 = arith.muli %add3A_393, %mul3A_442 : i32
      %add3A_444 = arith.constant 2 : i32
      %add3A_445 = arith.addi %mul3A_443, %add3A_444 : i32
      %dma_start3A_446 = arith.constant 1 : i32
      %dma_start3A_447 = arith.constant 2 : i32
      %dma_start3A_448 = arith.constant 0 : i32
      %dma_start3A_449 = arith.constant 0 : i32
      %dma_start3A_450 = arith.constant 0 : i32
      %dma_start3A_451 = tpu.memref_slice %arg6[%dma_start3A_446, %dma_start3A_448, %dma_start3A_449, %dma_start3A_450] : memref<2x16x50x32xf32, #tpu.memory_space<vmem>> -> memref<1x16x50x32xf32, #tpu.memory_space<vmem>>
      %dma_start3A_452 = tpu.memref_squeeze %dma_start3A_451 : memref<1x16x50x32xf32, #tpu.memory_space<vmem>> -> memref<16x50x32xf32, #tpu.memory_space<vmem>>
      %dma_start3A_453 = arith.constant 0 : i32
      %dma_start3A_454 = arith.constant 0 : i32
      %dma_start3A_455 = tpu.memref_slice %dma_start3A_452[%dma_start3A_447, %dma_start3A_453, %dma_start3A_454] : memref<16x50x32xf32, #tpu.memory_space<vmem>> -> memref<1x50x32xf32, #tpu.memory_space<vmem>>
      %dma_start3A_456 = tpu.memref_squeeze %dma_start3A_455 : memref<1x50x32xf32, #tpu.memory_space<vmem>> -> memref<50x32xf32, #tpu.memory_space<vmem>>
      %dma_start3A_457 = arith.constant 0 : i32
      %dma_start3A_458 = tpu.memref_slice %arg5[%add3A_445, %dma_start3A_457] : memref<512x50xi32, #tpu.memory_space<vmem>> -> memref<1x50xi32, #tpu.memory_space<vmem>>
      %dma_start3A_459 = tpu.memref_squeeze %dma_start3A_458 : memref<1x50xi32, #tpu.memory_space<vmem>> -> memref<50xi32, #tpu.memory_space<vmem>>
      %dma_start3A_460 = arith.constant 0 : i32
      %dma_start3A_461 = arith.constant 0 : i32
      %dma_start3A_462 = tpu.memref_slice %arg2[%dma_start3A_460, %dma_start3A_461] : memref<1000000x32xf32, #tpu.memory_space<hbm>> -> memref<1000000x32xf32, #tpu.memory_space<hbm>>
      tpu.enqueue_indirect_dma source(%dma_start3A_462 : memref<1000000x32xf32, #tpu.memory_space<hbm>>) target(%dma_start3A_456 : memref<50x32xf32, #tpu.memory_space<vmem>>) offsets(%dma_start3A_459 : memref<50xi32, #tpu.memory_space<vmem>>) semaphore(%arg8 : memref<!tpu.dma_semaphore, #tpu.memory_space<semaphore_mem>>)
      %mul3A_463 = arith.constant 16 : i32
      %mul3A_464 = arith.muli %add3A_393, %mul3A_463 : i32
      %add3A_465 = arith.constant 3 : i32
      %add3A_466 = arith.addi %mul3A_464, %add3A_465 : i32
      %dma_start3A_467 = arith.constant 1 : i32
      %dma_start3A_468 = arith.constant 3 : i32
      %dma_start3A_469 = arith.constant 0 : i32
      %dma_start3A_470 = arith.constant 0 : i32
      %dma_start3A_471 = arith.constant 0 : i32
      %dma_start3A_472 = tpu.memref_slice %arg6[%dma_start3A_467, %dma_start3A_469, %dma_start3A_470, %dma_start3A_471] : memref<2x16x50x32xf32, #tpu.memory_space<vmem>> -> memref<1x16x50x32xf32, #tpu.memory_space<vmem>>
      %dma_start3A_473 = tpu.memref_squeeze %dma_start3A_472 : memref<1x16x50x32xf32, #tpu.memory_space<vmem>> -> memref<16x50x32xf32, #tpu.memory_space<vmem>>
      %dma_start3A_474 = arith.constant 0 : i32
      %dma_start3A_475 = arith.constant 0 : i32
      %dma_start3A_476 = tpu.memref_slice %dma_start3A_473[%dma_start3A_468, %dma_start3A_474, %dma_start3A_475] : memref<16x50x32xf32, #tpu.memory_space<vmem>> -> memref<1x50x32xf32, #tpu.memory_space<vmem>>
      %dma_start3A_477 = tpu.memref_squeeze %dma_start3A_476 : memref<1x50x32xf32, #tpu.memory_space<vmem>> -> memref<50x32xf32, #tpu.memory_space<vmem>>
      %dma_start3A_478 = arith.constant 0 : i32
      %dma_start3A_479 = tpu.memref_slice %arg5[%add3A_466, %dma_start3A_478] : memref<512x50xi32, #tpu.memory_space<vmem>> -> memref<1x50xi32, #tpu.memory_space<vmem>>
      %dma_start3A_480 = tpu.memref_squeeze %dma_start3A_479 : memref<1x50xi32, #tpu.memory_space<vmem>> -> memref<50xi32, #tpu.memory_space<vmem>>
      %dma_start3A_481 = arith.constant 0 : i32
      %dma_start3A_482 = arith.constant 0 : i32
      %dma_start3A_483 = tpu.memref_slice %arg2[%dma_start3A_481, %dma_start3A_482] : memref<1000000x32xf32, #tpu.memory_space<hbm>> -> memref<1000000x32xf32, #tpu.memory_space<hbm>>
      tpu.enqueue_indirect_dma source(%dma_start3A_483 : memref<1000000x32xf32, #tpu.memory_space<hbm>>) target(%dma_start3A_477 : memref<50x32xf32, #tpu.memory_space<vmem>>) offsets(%dma_start3A_480 : memref<50xi32, #tpu.memory_space<vmem>>) semaphore(%arg8 : memref<!tpu.dma_semaphore, #tpu.memory_space<semaphore_mem>>)
      %mul3A_484 = arith.constant 16 : i32
      %mul3A_485 = arith.muli %add3A_393, %mul3A_484 : i32
      %add3A_486 = arith.constant 4 : i32
      %add3A_487 = arith.addi %mul3A_485, %add3A_486 : i32
      %dma_start3A_488 = arith.constant 1 : i32
      %dma_start3A_489 = arith.constant 4 : i32
      %dma_start3A_490 = arith.constant 0 : i32
      %dma_start3A_491 = arith.constant 0 : i32
      %dma_start3A_492 = arith.constant 0 : i32
      %dma_start3A_493 = tpu.memref_slice %arg6[%dma_start3A_488, %dma_start3A_490, %dma_start3A_491, %dma_start3A_492] : memref<2x16x50x32xf32, #tpu.memory_space<vmem>> -> memref<1x16x50x32xf32, #tpu.memory_space<vmem>>
      %dma_start3A_494 = tpu.memref_squeeze %dma_start3A_493 : memref<1x16x50x32xf32, #tpu.memory_space<vmem>> -> memref<16x50x32xf32, #tpu.memory_space<vmem>>
      %dma_start3A_495 = arith.constant 0 : i32
      %dma_start3A_496 = arith.constant 0 : i32
      %dma_start3A_497 = tpu.memref_slice %dma_start3A_494[%dma_start3A_489, %dma_start3A_495, %dma_start3A_496] : memref<16x50x32xf32, #tpu.memory_space<vmem>> -> memref<1x50x32xf32, #tpu.memory_space<vmem>>
      %dma_start3A_498 = tpu.memref_squeeze %dma_start3A_497 : memref<1x50x32xf32, #tpu.memory_space<vmem>> -> memref<50x32xf32, #tpu.memory_space<vmem>>
      %dma_start3A_499 = arith.constant 0 : i32
      %dma_start3A_500 = tpu.memref_slice %arg5[%add3A_487, %dma_start3A_499] : memref<512x50xi32, #tpu.memory_space<vmem>> -> memref<1x50xi32, #tpu.memory_space<vmem>>
      %dma_start3A_501 = tpu.memref_squeeze %dma_start3A_500 : memref<1x50xi32, #tpu.memory_space<vmem>> -> memref<50xi32, #tpu.memory_space<vmem>>
      %dma_start3A_502 = arith.constant 0 : i32
      %dma_start3A_503 = arith.constant 0 : i32
      %dma_start3A_504 = tpu.memref_slice %arg2[%dma_start3A_502, %dma_start3A_503] : memref<1000000x32xf32, #tpu.memory_space<hbm>> -> memref<1000000x32xf32, #tpu.memory_space<hbm>>
      tpu.enqueue_indirect_dma source(%dma_start3A_504 : memref<1000000x32xf32, #tpu.memory_space<hbm>>) target(%dma_start3A_498 : memref<50x32xf32, #tpu.memory_space<vmem>>) offsets(%dma_start3A_501 : memref<50xi32, #tpu.memory_space<vmem>>) semaphore(%arg8 : memref<!tpu.dma_semaphore, #tpu.memory_space<semaphore_mem>>)
      %mul3A_505 = arith.constant 16 : i32
      %mul3A_506 = arith.muli %add3A_393, %mul3A_505 : i32
      %add3A_507 = arith.constant 5 : i32
      %add3A_508 = arith.addi %mul3A_506, %add3A_507 : i32
      %dma_start3A_509 = arith.constant 1 : i32
      %dma_start3A_510 = arith.constant 5 : i32
      %dma_start3A_511 = arith.constant 0 : i32
      %dma_start3A_512 = arith.constant 0 : i32
      %dma_start3A_513 = arith.constant 0 : i32
      %dma_start3A_514 = tpu.memref_slice %arg6[%dma_start3A_509, %dma_start3A_511, %dma_start3A_512, %dma_start3A_513] : memref<2x16x50x32xf32, #tpu.memory_space<vmem>> -> memref<1x16x50x32xf32, #tpu.memory_space<vmem>>
      %dma_start3A_515 = tpu.memref_squeeze %dma_start3A_514 : memref<1x16x50x32xf32, #tpu.memory_space<vmem>> -> memref<16x50x32xf32, #tpu.memory_space<vmem>>
      %dma_start3A_516 = arith.constant 0 : i32
      %dma_start3A_517 = arith.constant 0 : i32
      %dma_start3A_518 = tpu.memref_slice %dma_start3A_515[%dma_start3A_510, %dma_start3A_516, %dma_start3A_517] : memref<16x50x32xf32, #tpu.memory_space<vmem>> -> memref<1x50x32xf32, #tpu.memory_space<vmem>>
      %dma_start3A_519 = tpu.memref_squeeze %dma_start3A_518 : memref<1x50x32xf32, #tpu.memory_space<vmem>> -> memref<50x32xf32, #tpu.memory_space<vmem>>
      %dma_start3A_520 = arith.constant 0 : i32
      %dma_start3A_521 = tpu.memref_slice %arg5[%add3A_508, %dma_start3A_520] : memref<512x50xi32, #tpu.memory_space<vmem>> -> memref<1x50xi32, #tpu.memory_space<vmem>>
      %dma_start3A_522 = tpu.memref_squeeze %dma_start3A_521 : memref<1x50xi32, #tpu.memory_space<vmem>> -> memref<50xi32, #tpu.memory_space<vmem>>
      %dma_start3A_523 = arith.constant 0 : i32
      %dma_start3A_524 = arith.constant 0 : i32
      %dma_start3A_525 = tpu.memref_slice %arg2[%dma_start3A_523, %dma_start3A_524] : memref<1000000x32xf32, #tpu.memory_space<hbm>> -> memref<1000000x32xf32, #tpu.memory_space<hbm>>
      tpu.enqueue_indirect_dma source(%dma_start3A_525 : memref<1000000x32xf32, #tpu.memory_space<hbm>>) target(%dma_start3A_519 : memref<50x32xf32, #tpu.memory_space<vmem>>) offsets(%dma_start3A_522 : memref<50xi32, #tpu.memory_space<vmem>>) semaphore(%arg8 : memref<!tpu.dma_semaphore, #tpu.memory_space<semaphore_mem>>)
      %mul3A_526 = arith.constant 16 : i32
      %mul3A_527 = arith.muli %add3A_393, %mul3A_526 : i32
      %add3A_528 = arith.constant 6 : i32
      %add3A_529 = arith.addi %mul3A_527, %add3A_528 : i32
      %dma_start3A_530 = arith.constant 1 : i32
      %dma_start3A_531 = arith.constant 6 : i32
      %dma_start3A_532 = arith.constant 0 : i32
      %dma_start3A_533 = arith.constant 0 : i32
      %dma_start3A_534 = arith.constant 0 : i32
      %dma_start3A_535 = tpu.memref_slice %arg6[%dma_start3A_530, %dma_start3A_532, %dma_start3A_533, %dma_start3A_534] : memref<2x16x50x32xf32, #tpu.memory_space<vmem>> -> memref<1x16x50x32xf32, #tpu.memory_space<vmem>>
      %dma_start3A_536 = tpu.memref_squeeze %dma_start3A_535 : memref<1x16x50x32xf32, #tpu.memory_space<vmem>> -> memref<16x50x32xf32, #tpu.memory_space<vmem>>
      %dma_start3A_537 = arith.constant 0 : i32
      %dma_start3A_538 = arith.constant 0 : i32
      %dma_start3A_539 = tpu.memref_slice %dma_start3A_536[%dma_start3A_531, %dma_start3A_537, %dma_start3A_538] : memref<16x50x32xf32, #tpu.memory_space<vmem>> -> memref<1x50x32xf32, #tpu.memory_space<vmem>>
      %dma_start3A_540 = tpu.memref_squeeze %dma_start3A_539 : memref<1x50x32xf32, #tpu.memory_space<vmem>> -> memref<50x32xf32, #tpu.memory_space<vmem>>
      %dma_start3A_541 = arith.constant 0 : i32
      %dma_start3A_542 = tpu.memref_slice %arg5[%add3A_529, %dma_start3A_541] : memref<512x50xi32, #tpu.memory_space<vmem>> -> memref<1x50xi32, #tpu.memory_space<vmem>>
      %dma_start3A_543 = tpu.memref_squeeze %dma_start3A_542 : memref<1x50xi32, #tpu.memory_space<vmem>> -> memref<50xi32, #tpu.memory_space<vmem>>
      %dma_start3A_544 = arith.constant 0 : i32
      %dma_start3A_545 = arith.constant 0 : i32
      %dma_start3A_546 = tpu.memref_slice %arg2[%dma_start3A_544, %dma_start3A_545] : memref<1000000x32xf32, #tpu.memory_space<hbm>> -> memref<1000000x32xf32, #tpu.memory_space<hbm>>
      tpu.enqueue_indirect_dma source(%dma_start3A_546 : memref<1000000x32xf32, #tpu.memory_space<hbm>>) target(%dma_start3A_540 : memref<50x32xf32, #tpu.memory_space<vmem>>) offsets(%dma_start3A_543 : memref<50xi32, #tpu.memory_space<vmem>>) semaphore(%arg8 : memref<!tpu.dma_semaphore, #tpu.memory_space<semaphore_mem>>)
      %mul3A_547 = arith.constant 16 : i32
      %mul3A_548 = arith.muli %add3A_393, %mul3A_547 : i32
      %add3A_549 = arith.constant 7 : i32
      %add3A_550 = arith.addi %mul3A_548, %add3A_549 : i32
      %dma_start3A_551 = arith.constant 1 : i32
      %dma_start3A_552 = arith.constant 7 : i32
      %dma_start3A_553 = arith.constant 0 : i32
      %dma_start3A_554 = arith.constant 0 : i32
      %dma_start3A_555 = arith.constant 0 : i32
      %dma_start3A_556 = tpu.memref_slice %arg6[%dma_start3A_551, %dma_start3A_553, %dma_start3A_554, %dma_start3A_555] : memref<2x16x50x32xf32, #tpu.memory_space<vmem>> -> memref<1x16x50x32xf32, #tpu.memory_space<vmem>>
      %dma_start3A_557 = tpu.memref_squeeze %dma_start3A_556 : memref<1x16x50x32xf32, #tpu.memory_space<vmem>> -> memref<16x50x32xf32, #tpu.memory_space<vmem>>
      %dma_start3A_558 = arith.constant 0 : i32
      %dma_start3A_559 = arith.constant 0 : i32
      %dma_start3A_560 = tpu.memref_slice %dma_start3A_557[%dma_start3A_552, %dma_start3A_558, %dma_start3A_559] : memref<16x50x32xf32, #tpu.memory_space<vmem>> -> memref<1x50x32xf32, #tpu.memory_space<vmem>>
      %dma_start3A_561 = tpu.memref_squeeze %dma_start3A_560 : memref<1x50x32xf32, #tpu.memory_space<vmem>> -> memref<50x32xf32, #tpu.memory_space<vmem>>
      %dma_start3A_562 = arith.constant 0 : i32
      %dma_start3A_563 = tpu.memref_slice %arg5[%add3A_550, %dma_start3A_562] : memref<512x50xi32, #tpu.memory_space<vmem>> -> memref<1x50xi32, #tpu.memory_space<vmem>>
      %dma_start3A_564 = tpu.memref_squeeze %dma_start3A_563 : memref<1x50xi32, #tpu.memory_space<vmem>> -> memref<50xi32, #tpu.memory_space<vmem>>
      %dma_start3A_565 = arith.constant 0 : i32
      %dma_start3A_566 = arith.constant 0 : i32
      %dma_start3A_567 = tpu.memref_slice %arg2[%dma_start3A_565, %dma_start3A_566] : memref<1000000x32xf32, #tpu.memory_space<hbm>> -> memref<1000000x32xf32, #tpu.memory_space<hbm>>
      tpu.enqueue_indirect_dma source(%dma_start3A_567 : memref<1000000x32xf32, #tpu.memory_space<hbm>>) target(%dma_start3A_561 : memref<50x32xf32, #tpu.memory_space<vmem>>) offsets(%dma_start3A_564 : memref<50xi32, #tpu.memory_space<vmem>>) semaphore(%arg8 : memref<!tpu.dma_semaphore, #tpu.memory_space<semaphore_mem>>)
      %mul3A_568 = arith.constant 16 : i32
      %mul3A_569 = arith.muli %add3A_393, %mul3A_568 : i32
      %add3A_570 = arith.constant 8 : i32
      %add3A_571 = arith.addi %mul3A_569, %add3A_570 : i32
      %dma_start3A_572 = arith.constant 1 : i32
      %dma_start3A_573 = arith.constant 8 : i32
      %dma_start3A_574 = arith.constant 0 : i32
      %dma_start3A_575 = arith.constant 0 : i32
      %dma_start3A_576 = arith.constant 0 : i32
      %dma_start3A_577 = tpu.memref_slice %arg6[%dma_start3A_572, %dma_start3A_574, %dma_start3A_575, %dma_start3A_576] : memref<2x16x50x32xf32, #tpu.memory_space<vmem>> -> memref<1x16x50x32xf32, #tpu.memory_space<vmem>>
      %dma_start3A_578 = tpu.memref_squeeze %dma_start3A_577 : memref<1x16x50x32xf32, #tpu.memory_space<vmem>> -> memref<16x50x32xf32, #tpu.memory_space<vmem>>
      %dma_start3A_579 = arith.constant 0 : i32
      %dma_start3A_580 = arith.constant 0 : i32
      %dma_start3A_581 = tpu.memref_slice %dma_start3A_578[%dma_start3A_573, %dma_start3A_579, %dma_start3A_580] : memref<16x50x32xf32, #tpu.memory_space<vmem>> -> memref<1x50x32xf32, #tpu.memory_space<vmem>>
      %dma_start3A_582 = tpu.memref_squeeze %dma_start3A_581 : memref<1x50x32xf32, #tpu.memory_space<vmem>> -> memref<50x32xf32, #tpu.memory_space<vmem>>
      %dma_start3A_583 = arith.constant 0 : i32
      %dma_start3A_584 = tpu.memref_slice %arg5[%add3A_571, %dma_start3A_583] : memref<512x50xi32, #tpu.memory_space<vmem>> -> memref<1x50xi32, #tpu.memory_space<vmem>>
      %dma_start3A_585 = tpu.memref_squeeze %dma_start3A_584 : memref<1x50xi32, #tpu.memory_space<vmem>> -> memref<50xi32, #tpu.memory_space<vmem>>
      %dma_start3A_586 = arith.constant 0 : i32
      %dma_start3A_587 = arith.constant 0 : i32
      %dma_start3A_588 = tpu.memref_slice %arg2[%dma_start3A_586, %dma_start3A_587] : memref<1000000x32xf32, #tpu.memory_space<hbm>> -> memref<1000000x32xf32, #tpu.memory_space<hbm>>
      tpu.enqueue_indirect_dma source(%dma_start3A_588 : memref<1000000x32xf32, #tpu.memory_space<hbm>>) target(%dma_start3A_582 : memref<50x32xf32, #tpu.memory_space<vmem>>) offsets(%dma_start3A_585 : memref<50xi32, #tpu.memory_space<vmem>>) semaphore(%arg8 : memref<!tpu.dma_semaphore, #tpu.memory_space<semaphore_mem>>)
      %mul3A_589 = arith.constant 16 : i32
      %mul3A_590 = arith.muli %add3A_393, %mul3A_589 : i32
      %add3A_591 = arith.constant 9 : i32
      %add3A_592 = arith.addi %mul3A_590, %add3A_591 : i32
      %dma_start3A_593 = arith.constant 1 : i32
      %dma_start3A_594 = arith.constant 9 : i32
      %dma_start3A_595 = arith.constant 0 : i32
      %dma_start3A_596 = arith.constant 0 : i32
      %dma_start3A_597 = arith.constant 0 : i32
      %dma_start3A_598 = tpu.memref_slice %arg6[%dma_start3A_593, %dma_start3A_595, %dma_start3A_596, %dma_start3A_597] : memref<2x16x50x32xf32, #tpu.memory_space<vmem>> -> memref<1x16x50x32xf32, #tpu.memory_space<vmem>>
      %dma_start3A_599 = tpu.memref_squeeze %dma_start3A_598 : memref<1x16x50x32xf32, #tpu.memory_space<vmem>> -> memref<16x50x32xf32, #tpu.memory_space<vmem>>
      %dma_start3A_600 = arith.constant 0 : i32
      %dma_start3A_601 = arith.constant 0 : i32
      %dma_start3A_602 = tpu.memref_slice %dma_start3A_599[%dma_start3A_594, %dma_start3A_600, %dma_start3A_601] : memref<16x50x32xf32, #tpu.memory_space<vmem>> -> memref<1x50x32xf32, #tpu.memory_space<vmem>>
      %dma_start3A_603 = tpu.memref_squeeze %dma_start3A_602 : memref<1x50x32xf32, #tpu.memory_space<vmem>> -> memref<50x32xf32, #tpu.memory_space<vmem>>
      %dma_start3A_604 = arith.constant 0 : i32
      %dma_start3A_605 = tpu.memref_slice %arg5[%add3A_592, %dma_start3A_604] : memref<512x50xi32, #tpu.memory_space<vmem>> -> memref<1x50xi32, #tpu.memory_space<vmem>>
      %dma_start3A_606 = tpu.memref_squeeze %dma_start3A_605 : memref<1x50xi32, #tpu.memory_space<vmem>> -> memref<50xi32, #tpu.memory_space<vmem>>
      %dma_start3A_607 = arith.constant 0 : i32
      %dma_start3A_608 = arith.constant 0 : i32
      %dma_start3A_609 = tpu.memref_slice %arg2[%dma_start3A_607, %dma_start3A_608] : memref<1000000x32xf32, #tpu.memory_space<hbm>> -> memref<1000000x32xf32, #tpu.memory_space<hbm>>
      tpu.enqueue_indirect_dma source(%dma_start3A_609 : memref<1000000x32xf32, #tpu.memory_space<hbm>>) target(%dma_start3A_603 : memref<50x32xf32, #tpu.memory_space<vmem>>) offsets(%dma_start3A_606 : memref<50xi32, #tpu.memory_space<vmem>>) semaphore(%arg8 : memref<!tpu.dma_semaphore, #tpu.memory_space<semaphore_mem>>)
      %mul3A_610 = arith.constant 16 : i32
      %mul3A_611 = arith.muli %add3A_393, %mul3A_610 : i32
      %add3A_612 = arith.constant 10 : i32
      %add3A_613 = arith.addi %mul3A_611, %add3A_612 : i32
      %dma_start3A_614 = arith.constant 1 : i32
      %dma_start3A_615 = arith.constant 10 : i32
      %dma_start3A_616 = arith.constant 0 : i32
      %dma_start3A_617 = arith.constant 0 : i32
      %dma_start3A_618 = arith.constant 0 : i32
      %dma_start3A_619 = tpu.memref_slice %arg6[%dma_start3A_614, %dma_start3A_616, %dma_start3A_617, %dma_start3A_618] : memref<2x16x50x32xf32, #tpu.memory_space<vmem>> -> memref<1x16x50x32xf32, #tpu.memory_space<vmem>>
      %dma_start3A_620 = tpu.memref_squeeze %dma_start3A_619 : memref<1x16x50x32xf32, #tpu.memory_space<vmem>> -> memref<16x50x32xf32, #tpu.memory_space<vmem>>
      %dma_start3A_621 = arith.constant 0 : i32
      %dma_start3A_622 = arith.constant 0 : i32
      %dma_start3A_623 = tpu.memref_slice %dma_start3A_620[%dma_start3A_615, %dma_start3A_621, %dma_start3A_622] : memref<16x50x32xf32, #tpu.memory_space<vmem>> -> memref<1x50x32xf32, #tpu.memory_space<vmem>>
      %dma_start3A_624 = tpu.memref_squeeze %dma_start3A_623 : memref<1x50x32xf32, #tpu.memory_space<vmem>> -> memref<50x32xf32, #tpu.memory_space<vmem>>
      %dma_start3A_625 = arith.constant 0 : i32
      %dma_start3A_626 = tpu.memref_slice %arg5[%add3A_613, %dma_start3A_625] : memref<512x50xi32, #tpu.memory_space<vmem>> -> memref<1x50xi32, #tpu.memory_space<vmem>>
      %dma_start3A_627 = tpu.memref_squeeze %dma_start3A_626 : memref<1x50xi32, #tpu.memory_space<vmem>> -> memref<50xi32, #tpu.memory_space<vmem>>
      %dma_start3A_628 = arith.constant 0 : i32
      %dma_start3A_629 = arith.constant 0 : i32
      %dma_start3A_630 = tpu.memref_slice %arg2[%dma_start3A_628, %dma_start3A_629] : memref<1000000x32xf32, #tpu.memory_space<hbm>> -> memref<1000000x32xf32, #tpu.memory_space<hbm>>
      tpu.enqueue_indirect_dma source(%dma_start3A_630 : memref<1000000x32xf32, #tpu.memory_space<hbm>>) target(%dma_start3A_624 : memref<50x32xf32, #tpu.memory_space<vmem>>) offsets(%dma_start3A_627 : memref<50xi32, #tpu.memory_space<vmem>>) semaphore(%arg8 : memref<!tpu.dma_semaphore, #tpu.memory_space<semaphore_mem>>)
      %mul3A_631 = arith.constant 16 : i32
      %mul3A_632 = arith.muli %add3A_393, %mul3A_631 : i32
      %add3A_633 = arith.constant 11 : i32
      %add3A_634 = arith.addi %mul3A_632, %add3A_633 : i32
      %dma_start3A_635 = arith.constant 1 : i32
      %dma_start3A_636 = arith.constant 11 : i32
      %dma_start3A_637 = arith.constant 0 : i32
      %dma_start3A_638 = arith.constant 0 : i32
      %dma_start3A_639 = arith.constant 0 : i32
      %dma_start3A_640 = tpu.memref_slice %arg6[%dma_start3A_635, %dma_start3A_637, %dma_start3A_638, %dma_start3A_639] : memref<2x16x50x32xf32, #tpu.memory_space<vmem>> -> memref<1x16x50x32xf32, #tpu.memory_space<vmem>>
      %dma_start3A_641 = tpu.memref_squeeze %dma_start3A_640 : memref<1x16x50x32xf32, #tpu.memory_space<vmem>> -> memref<16x50x32xf32, #tpu.memory_space<vmem>>
      %dma_start3A_642 = arith.constant 0 : i32
      %dma_start3A_643 = arith.constant 0 : i32
      %dma_start3A_644 = tpu.memref_slice %dma_start3A_641[%dma_start3A_636, %dma_start3A_642, %dma_start3A_643] : memref<16x50x32xf32, #tpu.memory_space<vmem>> -> memref<1x50x32xf32, #tpu.memory_space<vmem>>
      %dma_start3A_645 = tpu.memref_squeeze %dma_start3A_644 : memref<1x50x32xf32, #tpu.memory_space<vmem>> -> memref<50x32xf32, #tpu.memory_space<vmem>>
      %dma_start3A_646 = arith.constant 0 : i32
      %dma_start3A_647 = tpu.memref_slice %arg5[%add3A_634, %dma_start3A_646] : memref<512x50xi32, #tpu.memory_space<vmem>> -> memref<1x50xi32, #tpu.memory_space<vmem>>
      %dma_start3A_648 = tpu.memref_squeeze %dma_start3A_647 : memref<1x50xi32, #tpu.memory_space<vmem>> -> memref<50xi32, #tpu.memory_space<vmem>>
      %dma_start3A_649 = arith.constant 0 : i32
      %dma_start3A_650 = arith.constant 0 : i32
      %dma_start3A_651 = tpu.memref_slice %arg2[%dma_start3A_649, %dma_start3A_650] : memref<1000000x32xf32, #tpu.memory_space<hbm>> -> memref<1000000x32xf32, #tpu.memory_space<hbm>>
      tpu.enqueue_indirect_dma source(%dma_start3A_651 : memref<1000000x32xf32, #tpu.memory_space<hbm>>) target(%dma_start3A_645 : memref<50x32xf32, #tpu.memory_space<vmem>>) offsets(%dma_start3A_648 : memref<50xi32, #tpu.memory_space<vmem>>) semaphore(%arg8 : memref<!tpu.dma_semaphore, #tpu.memory_space<semaphore_mem>>)
      %mul3A_652 = arith.constant 16 : i32
      %mul3A_653 = arith.muli %add3A_393, %mul3A_652 : i32
      %add3A_654 = arith.constant 12 : i32
      %add3A_655 = arith.addi %mul3A_653, %add3A_654 : i32
      %dma_start3A_656 = arith.constant 1 : i32
      %dma_start3A_657 = arith.constant 12 : i32
      %dma_start3A_658 = arith.constant 0 : i32
      %dma_start3A_659 = arith.constant 0 : i32
      %dma_start3A_660 = arith.constant 0 : i32
      %dma_start3A_661 = tpu.memref_slice %arg6[%dma_start3A_656, %dma_start3A_658, %dma_start3A_659, %dma_start3A_660] : memref<2x16x50x32xf32, #tpu.memory_space<vmem>> -> memref<1x16x50x32xf32, #tpu.memory_space<vmem>>
      %dma_start3A_662 = tpu.memref_squeeze %dma_start3A_661 : memref<1x16x50x32xf32, #tpu.memory_space<vmem>> -> memref<16x50x32xf32, #tpu.memory_space<vmem>>
      %dma_start3A_663 = arith.constant 0 : i32
      %dma_start3A_664 = arith.constant 0 : i32
      %dma_start3A_665 = tpu.memref_slice %dma_start3A_662[%dma_start3A_657, %dma_start3A_663, %dma_start3A_664] : memref<16x50x32xf32, #tpu.memory_space<vmem>> -> memref<1x50x32xf32, #tpu.memory_space<vmem>>
      %dma_start3A_666 = tpu.memref_squeeze %dma_start3A_665 : memref<1x50x32xf32, #tpu.memory_space<vmem>> -> memref<50x32xf32, #tpu.memory_space<vmem>>
      %dma_start3A_667 = arith.constant 0 : i32
      %dma_start3A_668 = tpu.memref_slice %arg5[%add3A_655, %dma_start3A_667] : memref<512x50xi32, #tpu.memory_space<vmem>> -> memref<1x50xi32, #tpu.memory_space<vmem>>
      %dma_start3A_669 = tpu.memref_squeeze %dma_start3A_668 : memref<1x50xi32, #tpu.memory_space<vmem>> -> memref<50xi32, #tpu.memory_space<vmem>>
      %dma_start3A_670 = arith.constant 0 : i32
      %dma_start3A_671 = arith.constant 0 : i32
      %dma_start3A_672 = tpu.memref_slice %arg2[%dma_start3A_670, %dma_start3A_671] : memref<1000000x32xf32, #tpu.memory_space<hbm>> -> memref<1000000x32xf32, #tpu.memory_space<hbm>>
      tpu.enqueue_indirect_dma source(%dma_start3A_672 : memref<1000000x32xf32, #tpu.memory_space<hbm>>) target(%dma_start3A_666 : memref<50x32xf32, #tpu.memory_space<vmem>>) offsets(%dma_start3A_669 : memref<50xi32, #tpu.memory_space<vmem>>) semaphore(%arg8 : memref<!tpu.dma_semaphore, #tpu.memory_space<semaphore_mem>>)
      %mul3A_673 = arith.constant 16 : i32
      %mul3A_674 = arith.muli %add3A_393, %mul3A_673 : i32
      %add3A_675 = arith.constant 13 : i32
      %add3A_676 = arith.addi %mul3A_674, %add3A_675 : i32
      %dma_start3A_677 = arith.constant 1 : i32
      %dma_start3A_678 = arith.constant 13 : i32
      %dma_start3A_679 = arith.constant 0 : i32
      %dma_start3A_680 = arith.constant 0 : i32
      %dma_start3A_681 = arith.constant 0 : i32
      %dma_start3A_682 = tpu.memref_slice %arg6[%dma_start3A_677, %dma_start3A_679, %dma_start3A_680, %dma_start3A_681] : memref<2x16x50x32xf32, #tpu.memory_space<vmem>> -> memref<1x16x50x32xf32, #tpu.memory_space<vmem>>
      %dma_start3A_683 = tpu.memref_squeeze %dma_start3A_682 : memref<1x16x50x32xf32, #tpu.memory_space<vmem>> -> memref<16x50x32xf32, #tpu.memory_space<vmem>>
      %dma_start3A_684 = arith.constant 0 : i32
      %dma_start3A_685 = arith.constant 0 : i32
      %dma_start3A_686 = tpu.memref_slice %dma_start3A_683[%dma_start3A_678, %dma_start3A_684, %dma_start3A_685] : memref<16x50x32xf32, #tpu.memory_space<vmem>> -> memref<1x50x32xf32, #tpu.memory_space<vmem>>
      %dma_start3A_687 = tpu.memref_squeeze %dma_start3A_686 : memref<1x50x32xf32, #tpu.memory_space<vmem>> -> memref<50x32xf32, #tpu.memory_space<vmem>>
      %dma_start3A_688 = arith.constant 0 : i32
      %dma_start3A_689 = tpu.memref_slice %arg5[%add3A_676, %dma_start3A_688] : memref<512x50xi32, #tpu.memory_space<vmem>> -> memref<1x50xi32, #tpu.memory_space<vmem>>
      %dma_start3A_690 = tpu.memref_squeeze %dma_start3A_689 : memref<1x50xi32, #tpu.memory_space<vmem>> -> memref<50xi32, #tpu.memory_space<vmem>>
      %dma_start3A_691 = arith.constant 0 : i32
      %dma_start3A_692 = arith.constant 0 : i32
      %dma_start3A_693 = tpu.memref_slice %arg2[%dma_start3A_691, %dma_start3A_692] : memref<1000000x32xf32, #tpu.memory_space<hbm>> -> memref<1000000x32xf32, #tpu.memory_space<hbm>>
      tpu.enqueue_indirect_dma source(%dma_start3A_693 : memref<1000000x32xf32, #tpu.memory_space<hbm>>) target(%dma_start3A_687 : memref<50x32xf32, #tpu.memory_space<vmem>>) offsets(%dma_start3A_690 : memref<50xi32, #tpu.memory_space<vmem>>) semaphore(%arg8 : memref<!tpu.dma_semaphore, #tpu.memory_space<semaphore_mem>>)
      %mul3A_694 = arith.constant 16 : i32
      %mul3A_695 = arith.muli %add3A_393, %mul3A_694 : i32
      %add3A_696 = arith.constant 14 : i32
      %add3A_697 = arith.addi %mul3A_695, %add3A_696 : i32
      %dma_start3A_698 = arith.constant 1 : i32
      %dma_start3A_699 = arith.constant 14 : i32
      %dma_start3A_700 = arith.constant 0 : i32
      %dma_start3A_701 = arith.constant 0 : i32
      %dma_start3A_702 = arith.constant 0 : i32
      %dma_start3A_703 = tpu.memref_slice %arg6[%dma_start3A_698, %dma_start3A_700, %dma_start3A_701, %dma_start3A_702] : memref<2x16x50x32xf32, #tpu.memory_space<vmem>> -> memref<1x16x50x32xf32, #tpu.memory_space<vmem>>
      %dma_start3A_704 = tpu.memref_squeeze %dma_start3A_703 : memref<1x16x50x32xf32, #tpu.memory_space<vmem>> -> memref<16x50x32xf32, #tpu.memory_space<vmem>>
      %dma_start3A_705 = arith.constant 0 : i32
      %dma_start3A_706 = arith.constant 0 : i32
      %dma_start3A_707 = tpu.memref_slice %dma_start3A_704[%dma_start3A_699, %dma_start3A_705, %dma_start3A_706] : memref<16x50x32xf32, #tpu.memory_space<vmem>> -> memref<1x50x32xf32, #tpu.memory_space<vmem>>
      %dma_start3A_708 = tpu.memref_squeeze %dma_start3A_707 : memref<1x50x32xf32, #tpu.memory_space<vmem>> -> memref<50x32xf32, #tpu.memory_space<vmem>>
      %dma_start3A_709 = arith.constant 0 : i32
      %dma_start3A_710 = tpu.memref_slice %arg5[%add3A_697, %dma_start3A_709] : memref<512x50xi32, #tpu.memory_space<vmem>> -> memref<1x50xi32, #tpu.memory_space<vmem>>
      %dma_start3A_711 = tpu.memref_squeeze %dma_start3A_710 : memref<1x50xi32, #tpu.memory_space<vmem>> -> memref<50xi32, #tpu.memory_space<vmem>>
      %dma_start3A_712 = arith.constant 0 : i32
      %dma_start3A_713 = arith.constant 0 : i32
      %dma_start3A_714 = tpu.memref_slice %arg2[%dma_start3A_712, %dma_start3A_713] : memref<1000000x32xf32, #tpu.memory_space<hbm>> -> memref<1000000x32xf32, #tpu.memory_space<hbm>>
      tpu.enqueue_indirect_dma source(%dma_start3A_714 : memref<1000000x32xf32, #tpu.memory_space<hbm>>) target(%dma_start3A_708 : memref<50x32xf32, #tpu.memory_space<vmem>>) offsets(%dma_start3A_711 : memref<50xi32, #tpu.memory_space<vmem>>) semaphore(%arg8 : memref<!tpu.dma_semaphore, #tpu.memory_space<semaphore_mem>>)
      %mul3A_715 = arith.constant 16 : i32
      %mul3A_716 = arith.muli %add3A_393, %mul3A_715 : i32
      %add3A_717 = arith.constant 15 : i32
      %add3A_718 = arith.addi %mul3A_716, %add3A_717 : i32
      %dma_start3A_719 = arith.constant 1 : i32
      %dma_start3A_720 = arith.constant 15 : i32
      %dma_start3A_721 = arith.constant 0 : i32
      %dma_start3A_722 = arith.constant 0 : i32
      %dma_start3A_723 = arith.constant 0 : i32
      %dma_start3A_724 = tpu.memref_slice %arg6[%dma_start3A_719, %dma_start3A_721, %dma_start3A_722, %dma_start3A_723] : memref<2x16x50x32xf32, #tpu.memory_space<vmem>> -> memref<1x16x50x32xf32, #tpu.memory_space<vmem>>
      %dma_start3A_725 = tpu.memref_squeeze %dma_start3A_724 : memref<1x16x50x32xf32, #tpu.memory_space<vmem>> -> memref<16x50x32xf32, #tpu.memory_space<vmem>>
      %dma_start3A_726 = arith.constant 0 : i32
      %dma_start3A_727 = arith.constant 0 : i32
      %dma_start3A_728 = tpu.memref_slice %dma_start3A_725[%dma_start3A_720, %dma_start3A_726, %dma_start3A_727] : memref<16x50x32xf32, #tpu.memory_space<vmem>> -> memref<1x50x32xf32, #tpu.memory_space<vmem>>
      %dma_start3A_729 = tpu.memref_squeeze %dma_start3A_728 : memref<1x50x32xf32, #tpu.memory_space<vmem>> -> memref<50x32xf32, #tpu.memory_space<vmem>>
      %dma_start3A_730 = arith.constant 0 : i32
      %dma_start3A_731 = tpu.memref_slice %arg5[%add3A_718, %dma_start3A_730] : memref<512x50xi32, #tpu.memory_space<vmem>> -> memref<1x50xi32, #tpu.memory_space<vmem>>
      %dma_start3A_732 = tpu.memref_squeeze %dma_start3A_731 : memref<1x50xi32, #tpu.memory_space<vmem>> -> memref<50xi32, #tpu.memory_space<vmem>>
      %dma_start3A_733 = arith.constant 0 : i32
      %dma_start3A_734 = arith.constant 0 : i32
      %dma_start3A_735 = tpu.memref_slice %arg2[%dma_start3A_733, %dma_start3A_734] : memref<1000000x32xf32, #tpu.memory_space<hbm>> -> memref<1000000x32xf32, #tpu.memory_space<hbm>>
      tpu.enqueue_indirect_dma source(%dma_start3A_735 : memref<1000000x32xf32, #tpu.memory_space<hbm>>) target(%dma_start3A_729 : memref<50x32xf32, #tpu.memory_space<vmem>>) offsets(%dma_start3A_732 : memref<50xi32, #tpu.memory_space<vmem>>) semaphore(%arg8 : memref<!tpu.dma_semaphore, #tpu.memory_space<semaphore_mem>>)
      %mul3A_736 = arith.constant 2 : i32
      %mul3A_737 = arith.muli %mul3A_736, %scan3A_46 : i32
      %add3A_738 = arith.constant 0 : i32
      %add3A_739 = arith.addi %mul3A_737, %add3A_738 : i32
      %dma_wait3A_740 = arith.constant 0 : i32
      %dma_wait3A_741 = arith.constant 0 : i32
      %dma_wait3A_742 = arith.constant 0 : i32
      %dma_wait3A_743 = arith.constant 0 : i32
      %dma_wait3A_744 = tpu.memref_slice %arg6[%dma_wait3A_740, %dma_wait3A_741, %dma_wait3A_742, %dma_wait3A_743] : memref<2x16x50x32xf32, #tpu.memory_space<vmem>> -> memref<1x16x50x32xf32, #tpu.memory_space<vmem>>
      %dma_wait3A_745 = tpu.memref_squeeze %dma_wait3A_744 : memref<1x16x50x32xf32, #tpu.memory_space<vmem>> -> memref<16x50x32xf32, #tpu.memory_space<vmem>>
      %dma_wait3A_746 = arith.constant 0 : i32
      %dma_wait3A_747 = arith.constant 0 : i32
      %dma_wait3A_748 = arith.constant 0 : i32
      %dma_wait3A_749 = tpu.memref_slice %arg4[%dma_wait3A_746, %dma_wait3A_747, %dma_wait3A_748] : memref<16384x50x32xf32, #tpu.memory_space<hbm>> -> memref<16x50x32xf32, #tpu.memory_space<hbm>>
      %dma_wait3A_750 = arith.constant 0 : i32
      %dma_wait3A_751 = arith.constant 0 : i32
      %dma_wait3A_752 = arith.constant 0 : i32
      %dma_wait3A_753 = tpu.memref_slice %arg6[%dma_wait3A_740, %dma_wait3A_750, %dma_wait3A_751, %dma_wait3A_752] : memref<2x16x50x32xf32, #tpu.memory_space<vmem>> -> memref<1x16x50x32xf32, #tpu.memory_space<vmem>>
      %dma_wait3A_754 = tpu.memref_squeeze %dma_wait3A_753 : memref<1x16x50x32xf32, #tpu.memory_space<vmem>> -> memref<16x50x32xf32, #tpu.memory_space<vmem>>
      %dma_wait3A_755 = arith.constant 0 : i32
      %dma_wait3A_756 = arith.constant 0 : i32
      %dma_wait3A_757 = arith.constant 0 : i32
      %dma_wait3A_758 = tpu.memref_slice %arg4[%dma_wait3A_755, %dma_wait3A_756, %dma_wait3A_757] : memref<16384x50x32xf32, #tpu.memory_space<hbm>> -> memref<16x50x32xf32, #tpu.memory_space<hbm>>
      tpu.wait_dma2 semaphore(%arg7 : memref<!tpu.dma_semaphore, #tpu.memory_space<semaphore_mem>>) src(%dma_wait3A_758 : memref<16x50x32xf32, #tpu.memory_space<hbm>>) dst(%dma_wait3A_754 : memref<16x50x32xf32, #tpu.memory_space<vmem>>)
      %mul3A_759 = arith.constant 16 : i32
      %mul3A_760 = arith.muli %add3A_739, %mul3A_759 : i32
      %add3A_761 = arith.addi %mul3A_2, %mul3A_760 : i32
      %dma_start3A_762 = arith.constant 0 : i32
      %dma_start3A_763 = arith.constant 0 : i32
      %dma_start3A_764 = arith.constant 0 : i32
      %dma_start3A_765 = arith.constant 0 : i32
      %dma_start3A_766 = tpu.memref_slice %arg6[%dma_start3A_762, %dma_start3A_763, %dma_start3A_764, %dma_start3A_765] : memref<2x16x50x32xf32, #tpu.memory_space<vmem>> -> memref<1x16x50x32xf32, #tpu.memory_space<vmem>>
      %dma_start3A_767 = tpu.memref_squeeze %dma_start3A_766 : memref<1x16x50x32xf32, #tpu.memory_space<vmem>> -> memref<16x50x32xf32, #tpu.memory_space<vmem>>
      %dma_start3A_768 = arith.constant 0 : i32
      %dma_start3A_769 = arith.constant 0 : i32
      %dma_start3A_770 = tpu.memref_slice %arg4[%add3A_761, %dma_start3A_768, %dma_start3A_769] : memref<16384x50x32xf32, #tpu.memory_space<hbm>> -> memref<16x50x32xf32, #tpu.memory_space<hbm>>
      %dma_start3A_771 = arith.constant 0 : i32
      %dma_start3A_772 = arith.constant 0 : i32
      %dma_start3A_773 = tpu.memref_slice %arg4[%add3A_761, %dma_start3A_771, %dma_start3A_772] : memref<16384x50x32xf32, #tpu.memory_space<hbm>> -> memref<16x50x32xf32, #tpu.memory_space<hbm>>
      %dma_start3A_774 = arith.constant 0 : i32
      %dma_start3A_775 = arith.constant 0 : i32
      %dma_start3A_776 = arith.constant 0 : i32
      %dma_start3A_777 = tpu.memref_slice %arg6[%dma_start3A_762, %dma_start3A_774, %dma_start3A_775, %dma_start3A_776] : memref<2x16x50x32xf32, #tpu.memory_space<vmem>> -> memref<1x16x50x32xf32, #tpu.memory_space<vmem>>
      %dma_start3A_778 = tpu.memref_squeeze %dma_start3A_777 : memref<1x16x50x32xf32, #tpu.memory_space<vmem>> -> memref<16x50x32xf32, #tpu.memory_space<vmem>>
      tpu.enqueue_dma source(%dma_start3A_778 : memref<16x50x32xf32, #tpu.memory_space<vmem>>) target(%dma_start3A_773 : memref<16x50x32xf32, #tpu.memory_space<hbm>>) target_semaphore(%arg9 : memref<!tpu.dma_semaphore, #tpu.memory_space<semaphore_mem>>)
      %mul3A_779 = arith.constant 2 : i32
      %mul3A_780 = arith.muli %mul3A_779, %scan3A_46 : i32
      %add3A_781 = arith.constant 1 : i32
      %add3A_782 = arith.addi %mul3A_780, %add3A_781 : i32
      %dma_wait3A_783 = arith.constant 1 : i32
      %dma_wait3A_784 = arith.constant 0 : i32
      %dma_wait3A_785 = arith.constant 0 : i32
      %dma_wait3A_786 = arith.constant 0 : i32
      %dma_wait3A_787 = tpu.memref_slice %arg6[%dma_wait3A_783, %dma_wait3A_784, %dma_wait3A_785, %dma_wait3A_786] : memref<2x16x50x32xf32, #tpu.memory_space<vmem>> -> memref<1x16x50x32xf32, #tpu.memory_space<vmem>>
      %dma_wait3A_788 = tpu.memref_squeeze %dma_wait3A_787 : memref<1x16x50x32xf32, #tpu.memory_space<vmem>> -> memref<16x50x32xf32, #tpu.memory_space<vmem>>
      %dma_wait3A_789 = arith.constant 0 : i32
      %dma_wait3A_790 = arith.constant 0 : i32
      %dma_wait3A_791 = arith.constant 0 : i32
      %dma_wait3A_792 = tpu.memref_slice %arg4[%dma_wait3A_789, %dma_wait3A_790, %dma_wait3A_791] : memref<16384x50x32xf32, #tpu.memory_space<hbm>> -> memref<16x50x32xf32, #tpu.memory_space<hbm>>
      %dma_wait3A_793 = arith.constant 0 : i32
      %dma_wait3A_794 = arith.constant 0 : i32
      %dma_wait3A_795 = arith.constant 0 : i32
      %dma_wait3A_796 = tpu.memref_slice %arg6[%dma_wait3A_783, %dma_wait3A_793, %dma_wait3A_794, %dma_wait3A_795] : memref<2x16x50x32xf32, #tpu.memory_space<vmem>> -> memref<1x16x50x32xf32, #tpu.memory_space<vmem>>
      %dma_wait3A_797 = tpu.memref_squeeze %dma_wait3A_796 : memref<1x16x50x32xf32, #tpu.memory_space<vmem>> -> memref<16x50x32xf32, #tpu.memory_space<vmem>>
      %dma_wait3A_798 = arith.constant 0 : i32
      %dma_wait3A_799 = arith.constant 0 : i32
      %dma_wait3A_800 = arith.constant 0 : i32
      %dma_wait3A_801 = tpu.memref_slice %arg4[%dma_wait3A_798, %dma_wait3A_799, %dma_wait3A_800] : memref<16384x50x32xf32, #tpu.memory_space<hbm>> -> memref<16x50x32xf32, #tpu.memory_space<hbm>>
      tpu.wait_dma2 semaphore(%arg8 : memref<!tpu.dma_semaphore, #tpu.memory_space<semaphore_mem>>) src(%dma_wait3A_801 : memref<16x50x32xf32, #tpu.memory_space<hbm>>) dst(%dma_wait3A_797 : memref<16x50x32xf32, #tpu.memory_space<vmem>>)
      %mul3A_802 = arith.constant 16 : i32
      %mul3A_803 = arith.muli %add3A_782, %mul3A_802 : i32
      %add3A_804 = arith.addi %mul3A_2, %mul3A_803 : i32
      %dma_start3A_805 = arith.constant 1 : i32
      %dma_start3A_806 = arith.constant 0 : i32
      %dma_start3A_807 = arith.constant 0 : i32
      %dma_start3A_808 = arith.constant 0 : i32
      %dma_start3A_809 = tpu.memref_slice %arg6[%dma_start3A_805, %dma_start3A_806, %dma_start3A_807, %dma_start3A_808] : memref<2x16x50x32xf32, #tpu.memory_space<vmem>> -> memref<1x16x50x32xf32, #tpu.memory_space<vmem>>
      %dma_start3A_810 = tpu.memref_squeeze %dma_start3A_809 : memref<1x16x50x32xf32, #tpu.memory_space<vmem>> -> memref<16x50x32xf32, #tpu.memory_space<vmem>>
      %dma_start3A_811 = arith.constant 0 : i32
      %dma_start3A_812 = arith.constant 0 : i32
      %dma_start3A_813 = tpu.memref_slice %arg4[%add3A_804, %dma_start3A_811, %dma_start3A_812] : memref<16384x50x32xf32, #tpu.memory_space<hbm>> -> memref<16x50x32xf32, #tpu.memory_space<hbm>>
      %dma_start3A_814 = arith.constant 0 : i32
      %dma_start3A_815 = arith.constant 0 : i32
      %dma_start3A_816 = tpu.memref_slice %arg4[%add3A_804, %dma_start3A_814, %dma_start3A_815] : memref<16384x50x32xf32, #tpu.memory_space<hbm>> -> memref<16x50x32xf32, #tpu.memory_space<hbm>>
      %dma_start3A_817 = arith.constant 0 : i32
      %dma_start3A_818 = arith.constant 0 : i32
      %dma_start3A_819 = arith.constant 0 : i32
      %dma_start3A_820 = tpu.memref_slice %arg6[%dma_start3A_805, %dma_start3A_817, %dma_start3A_818, %dma_start3A_819] : memref<2x16x50x32xf32, #tpu.memory_space<vmem>> -> memref<1x16x50x32xf32, #tpu.memory_space<vmem>>
      %dma_start3A_821 = tpu.memref_squeeze %dma_start3A_820 : memref<1x16x50x32xf32, #tpu.memory_space<vmem>> -> memref<16x50x32xf32, #tpu.memory_space<vmem>>
      tpu.enqueue_dma source(%dma_start3A_821 : memref<16x50x32xf32, #tpu.memory_space<vmem>>) target(%dma_start3A_816 : memref<16x50x32xf32, #tpu.memory_space<hbm>>) target_semaphore(%arg10 : memref<!tpu.dma_semaphore, #tpu.memory_space<semaphore_mem>>)
      %scan3A_822 = arith.constant 0 : i32
      scf.yield %scan3A_822 : i32
    }
    %scan3A_8 = arith.constant 16 : i32
    %dma_wait3A = arith.constant 0 : i32
    %dma_wait3A_9 = arith.constant 0 : i32
    %dma_wait3A_10 = arith.constant 0 : i32
    %dma_wait3A_11 = arith.constant 0 : i32
    %dma_wait3A_12 = tpu.memref_slice %arg6[%dma_wait3A, %dma_wait3A_9, %dma_wait3A_10, %dma_wait3A_11] : memref<2x16x50x32xf32, #tpu.memory_space<vmem>> -> memref<1x16x50x32xf32, #tpu.memory_space<vmem>>
    %dma_wait3A_13 = tpu.memref_squeeze %dma_wait3A_12 : memref<1x16x50x32xf32, #tpu.memory_space<vmem>> -> memref<16x50x32xf32, #tpu.memory_space<vmem>>
    %dma_wait3A_14 = arith.constant 0 : i32
    %dma_wait3A_15 = arith.constant 0 : i32
    %dma_wait3A_16 = arith.constant 0 : i32
    %dma_wait3A_17 = tpu.memref_slice %arg4[%dma_wait3A_14, %dma_wait3A_15, %dma_wait3A_16] : memref<16384x50x32xf32, #tpu.memory_space<hbm>> -> memref<16x50x32xf32, #tpu.memory_space<hbm>>
    %dma_wait3A_18 = arith.constant 0 : i32
    %dma_wait3A_19 = arith.constant 0 : i32
    %dma_wait3A_20 = arith.constant 0 : i32
    %dma_wait3A_21 = tpu.memref_slice %arg6[%dma_wait3A, %dma_wait3A_18, %dma_wait3A_19, %dma_wait3A_20] : memref<2x16x50x32xf32, #tpu.memory_space<vmem>> -> memref<1x16x50x32xf32, #tpu.memory_space<vmem>>
    %dma_wait3A_22 = tpu.memref_squeeze %dma_wait3A_21 : memref<1x16x50x32xf32, #tpu.memory_space<vmem>> -> memref<16x50x32xf32, #tpu.memory_space<vmem>>
    %dma_wait3A_23 = arith.constant 0 : i32
    %dma_wait3A_24 = arith.constant 0 : i32
    %dma_wait3A_25 = arith.constant 0 : i32
    %dma_wait3A_26 = tpu.memref_slice %arg4[%dma_wait3A_23, %dma_wait3A_24, %dma_wait3A_25] : memref<16384x50x32xf32, #tpu.memory_space<hbm>> -> memref<16x50x32xf32, #tpu.memory_space<hbm>>
    tpu.wait_dma2 semaphore(%arg9 : memref<!tpu.dma_semaphore, #tpu.memory_space<semaphore_mem>>) src(%dma_wait3A_26 : memref<16x50x32xf32, #tpu.memory_space<hbm>>) dst(%dma_wait3A_22 : memref<16x50x32xf32, #tpu.memory_space<vmem>>)
    %dma_wait3A_27 = arith.constant 1 : i32
    %dma_wait3A_28 = arith.constant 0 : i32
    %dma_wait3A_29 = arith.constant 0 : i32
    %dma_wait3A_30 = arith.constant 0 : i32
    %dma_wait3A_31 = tpu.memref_slice %arg6[%dma_wait3A_27, %dma_wait3A_28, %dma_wait3A_29, %dma_wait3A_30] : memref<2x16x50x32xf32, #tpu.memory_space<vmem>> -> memref<1x16x50x32xf32, #tpu.memory_space<vmem>>
    %dma_wait3A_32 = tpu.memref_squeeze %dma_wait3A_31 : memref<1x16x50x32xf32, #tpu.memory_space<vmem>> -> memref<16x50x32xf32, #tpu.memory_space<vmem>>
    %dma_wait3A_33 = arith.constant 0 : i32
    %dma_wait3A_34 = arith.constant 0 : i32
    %dma_wait3A_35 = arith.constant 0 : i32
    %dma_wait3A_36 = tpu.memref_slice %arg4[%dma_wait3A_33, %dma_wait3A_34, %dma_wait3A_35] : memref<16384x50x32xf32, #tpu.memory_space<hbm>> -> memref<16x50x32xf32, #tpu.memory_space<hbm>>
    %dma_wait3A_37 = arith.constant 0 : i32
    %dma_wait3A_38 = arith.constant 0 : i32
    %dma_wait3A_39 = arith.constant 0 : i32
    %dma_wait3A_40 = tpu.memref_slice %arg6[%dma_wait3A_27, %dma_wait3A_37, %dma_wait3A_38, %dma_wait3A_39] : memref<2x16x50x32xf32, #tpu.memory_space<vmem>> -> memref<1x16x50x32xf32, #tpu.memory_space<vmem>>
    %dma_wait3A_41 = tpu.memref_squeeze %dma_wait3A_40 : memref<1x16x50x32xf32, #tpu.memory_space<vmem>> -> memref<16x50x32xf32, #tpu.memory_space<vmem>>
    %dma_wait3A_42 = arith.constant 0 : i32
    %dma_wait3A_43 = arith.constant 0 : i32
    %dma_wait3A_44 = arith.constant 0 : i32
    %dma_wait3A_45 = tpu.memref_slice %arg4[%dma_wait3A_42, %dma_wait3A_43, %dma_wait3A_44] : memref<16384x50x32xf32, #tpu.memory_space<hbm>> -> memref<16x50x32xf32, #tpu.memory_space<hbm>>
    tpu.wait_dma2 semaphore(%arg10 : memref<!tpu.dma_semaphore, #tpu.memory_space<semaphore_mem>>) src(%dma_wait3A_45 : memref<16x50x32xf32, #tpu.memory_space<hbm>>) dst(%dma_wait3A_41 : memref<16x50x32xf32, #tpu.memory_space<vmem>>)
    return
  }
}

</mosaic_0001>

<sc_bundles>
// kernel: _sc_gather.3.cloned.1.call-start
scs
__scs_entry_jumppad:
0x0: {  	(pc) =	sbr.rel $0x88, $3  }
0x1: {  	(tag) =	ssettag $0x0;
	lr =	simm.s32 $0x1  }
0x2: {  	[smem:$0x3F9F] =	sst lr;
	_ =	strace $0xD0000000  }
0x3: {  	_ = 	snop  }
0x4: {  	_ = 	snop  }
0x5: {  	_ = 	snop  }
0x6: {  	_ = 	snop  }
0x7: {  	_ = 	snop  }
__scs_overlays_trampoline_lowered:
0x8: {  	[smem:$0x3FAE] =	sst s0  }
0x9: {  	[smem:$0x3FAF] =	sst s1  }
0xa: {  	[smem:$0x3FB0] =	sst s2  }
0xb: {  	[smem:$0x3FB1] =	sst s3  }
0xc: {  	[smem:$0x3FB2] =	sst s4  }
0xd: {  	[smem:$0x3FB3] =	sst s5  }
0xe: {  	[smem:$0x3FB4] =	sst s6  }
0xf: {  	[smem:$0x3FB5] =	sst s7  }
0x10: {  	[smem:$0x3FB6] =	sst s8  }
0x11: {  	[smem:$0x3FB7] =	sst s9;
	s0 =	simm.s32 @!p0 $0x0  }
0x12: {  	s1 =	sld [smem:$0x3F9D];
	s0 =	simm.s32 @p0 $0x1  }
0x13: {  	[smem:$0x3FB8] =	sst s0;
	s0 =	simm.s32 @!p1 $0x0  }
0x14: {  	s2 =	sld [smem:$0x3F9C];
	s0 =	simm.s32 @p1 $0x1  }
0x15: {  	[smem:$0x3FB9] =	sst s0;
	s0 =	simm.s32 @!p2 $0x0  }
0x16: {  	s3 =	sld [smem:$0x3FDB];
	s0 =	simm.s32 @p2 $0x1  }
0x17: {  	s4 =	simm.s32 $0x1BF5;
	[smem:$0x3FBB] =	sst s0  }
0x18: {  	s0 =	sld [smem:$0x3F9E];
	_ =	swait.ge [sflag:s4], $0x0  }
0x19: {  	s7 =	sld [smem:$0x3F9F]  }
0x1a: {  	s8 =	sadd.s32 $0xFFFFE003, lr  }
0x1b: {  	s9 =	sadd.s32 $0xFFFFFEF7, lr;
	s5 =	simm.s32 $0xFFFFFFFF;
	p2 =	slt.u32 s8, $0xFFFFF086  }
0x1c: {  	p1 =	slt.u32 s9, $0xF7A;
	s5 =	simm.s32 @!p2 $0x0  }
0x1d: {  	s5 =	simm.s32 @p1 $0x1;
	p0 =	seq.s32 s7, s2  }
0x1e: {  	s7 =	smul.u32 @!p0 $0xF7A, s2;
	p2 =	seq.s32 @!p0 s5, $0x0  }
0x1f: {  	s9 =	smul.u32 $0xF7A, s1;
	s8 =	simm.s32 @!p0 $0x1BF5;
	p2 =	por !p2, p0  }
0x20: {  	[sflag:s8] =	ssyncset.s32 @!p0 $0xFFFFF086;
	s6 =	sadd.s32 @!p0 s3, s7;
	s7 =	simm.s32 @!p0 $0x108  }
0x21: {  	s3 =	sadd.s32 s3, s9;
	s6 =	sadd.s32 @!p0 $0x88, s6;
	s7 =	simm.s32 @p2 $0x1082  }
0x22: {  	[simem:s7], [sflag:s8] =	dma.local @!p0 [hbm:s6], $0xF7A  }
0x23: {  	s9 =	sor.u32 $0xD0000000, s2;
	s6 =	simm.s32 $0x108;
	_ =	swait.ge @!p0 [sflag:s8], $0x0  }
0x24: {  	s3 =	sadd.s32 $0x88, s3;
	s6 =	simm.s32 @!p1 $0x1082;
	[sflag:s4] =	ssyncset.s32 $0xFFFFF086  }
0x25: {  	[simem:s6], [sflag:s4] =	dma.local [hbm:s3], $0xF7A  }
0x26: {  	[smem:$0x3F9F] =	sst s1;
	(tag) =	ssettag s2;
	_ =	strace s9  }
0x27: {  	s1 =	sld [smem:$0x3FAF]  }
0x28: {  	s2 =	sld [smem:$0x3FB0]  }
0x29: {  	s4 =	sld [smem:$0x3FB2]  }
0x2a: {  	p0 =	seq.s32 s5, $0x0;
	s5 =	sld [smem:$0x3FB3]  }
0x2b: {  	s6 =	sld [smem:$0x3FB4]  }
0x2c: {  	s7 =	sld [smem:$0x3FB5]  }
0x2d: {  	s3 =	simm.s32 $0x108;
	s8 =	sld [smem:$0x3FB6]  }
0x2e: {  	s3 =	simm.s32 @!p0 $0x1082;
	s9 =	sld [smem:$0x3FB7]  }
0x2f: {  	lr =	sadd.s32 s0, s3;
	s0 =	sld [smem:$0x3FAE]  }
0x30: {  	s3 =	sld [smem:$0x3FB1]  }
0x31: {  	[smem:$0x3FBA] =	sst s10  }
0x32: {  	s10 =	sld [smem:$0x3FB8];
	_ =	sdelay $0x3  }
0x33: {  	p0 =	seq.s32 s10, $0x1;
	s10 =	sld [smem:$0x3FBA];
	_ =	sdelay $0x3  }
0x34: {  	[smem:$0x3FBA] =	sst s10  }
0x35: {  	s10 =	sld [smem:$0x3FB9];
	_ =	sdelay $0x3  }
0x36: {  	p1 =	seq.s32 s10, $0x1;
	s10 =	sld [smem:$0x3FBA];
	_ =	sdelay $0x3  }
0x37: {  	[smem:$0x3FBA] =	sst s10  }
0x38: {  	s10 =	sld [smem:$0x3FBB]  }
0x39: {  	_ = 	snop;
	(pc) =	sbr.ind lr, $3  }
0x3a: {  	_ = 	snop  }
0x3b: {  	_ = 	snop  }
0x3c: {  	p2 =	seq.s32 s10, $0x1;
	s10 =	sld [smem:$0x3FBA]  }
0x3d: {  	_ =	shalt  }
0x3e: {  	_ =	shalt  }
0x3f: {  	_ =	shalt  }
0x40: {  	_ =	shalt  }
0x41: {  	_ =	shalt  }
0x42: {  	_ =	shalt  }
0x43: {  	_ =	shalt  }
0x44: {  	_ =	shalt  }
0x45: {  	_ =	shalt  }
0x46: {  	_ =	shalt  }
0x47: {  	_ =	shalt  }
0x48: {  	_ =	shalt  }
0x49: {  	_ =	shalt  }
0x4a: {  	_ =	shalt  }
0x4b: {  	_ =	shalt  }
0x4c: {  	_ =	shalt  }
0x4d: {  	_ =	shalt  }
0x4e: {  	_ =	shalt  }
0x4f: {  	_ =	shalt  }
0x50: {  	_ =	shalt  }
0x51: {  	_ =	shalt  }
0x52: {  	_ =	shalt  }
0x53: {  	_ =	shalt  }
0x54: {  	_ =	shalt  }
0x55: {  	_ =	shalt  }
0x56: {  	_ =	shalt  }
0x57: {  	_ =	shalt  }
0x58: {  	_ =	shalt  }
0x59: {  	_ =	shalt  }
0x5a: {  	_ =	shalt  }
0x5b: {  	_ =	shalt  }
0x5c: {  	_ =	shalt  }
0x5d: {  	_ =	shalt  }
0x5e: {  	_ =	shalt  }
0x5f: {  	_ =	shalt  }
0x60: {  	_ =	shalt  }
0x61: {  	_ =	shalt  }
0x62: {  	_ =	shalt  }
0x63: {  	_ =	shalt  }
0x64: {  	_ =	shalt  }
0x65: {  	_ =	shalt  }
0x66: {  	_ =	shalt  }
0x67: {  	_ =	shalt  }
0x68: {  	_ =	shalt  }
0x69: {  	_ =	shalt  }
0x6a: {  	_ =	shalt  }
0x6b: {  	_ =	shalt  }
0x6c: {  	_ =	shalt  }
0x6d: {  	_ =	shalt  }
0x6e: {  	_ =	shalt  }
0x6f: {  	_ =	shalt  }
0x70: {  	_ =	shalt  }
0x71: {  	_ =	shalt  }
0x72: {  	_ =	shalt  }
0x73: {  	_ =	shalt  }
0x74: {  	_ =	shalt  }
0x75: {  	_ =	shalt  }
0x76: {  	_ =	shalt  }
0x77: {  	_ =	shalt  }
0x78: {  	_ =	shalt  }
0x79: {  	_ =	shalt  }
0x7a: {  	_ =	shalt  }
0x7b: {  	_ =	shalt  }
0x7c: {  	_ =	shalt  }
0x7d: {  	_ =	shalt  }
0x7e: {  	_ =	shalt  }
0x7f: {  	_ =	shalt  }
0x80: {  	_ =	shalt  }
0x81: {  	_ =	shalt  }
0x82: {  	_ =	shalt  }
0x83: {  	_ =	shalt  }
0x84: {  	_ =	shalt  }
0x85: {  	_ =	shalt  }
0x86: {  	_ =	shalt  }
0x87: {  	_ =	shalt  }
.Lfunc_end0:
.L_simem_size_0:
called_computation.1_lowered:
.L_overlay_start_0:
0x88: {  	s2 =	sld [smem:$0x3FD9]  }
0x89: {  	s3 =	sld [smem:$0x3FFE];
	_ =	sdelay $0x1  }
0x8a: {  	s1 =	srdreg.scid  }
0x8b: {  	s0 =	sand.u32 $0x1, s1  }
0x8c: {  	s17 =	sshll.u32 s0, $0xA;
	s2 =	sadd.s32 s3, s2  }
0x8d: {  	s2 =	sadd.s32 s2, s17  }
0x8e: {  	[smem:$0x3FC6] =	sst s2  }
0x8f: {  	_ = 	snop  }
0x90: {  	s2 =	sld [smem:$0x3FD0];
	(tm) =	ssettm $0x1  }
0x91: {  	s18 =	sld [smem:$0x3FFB];
	_ =	sdelay $0x3  }
0x92: {  	_ =	strace s18  }
0x93: {  	s3 =	sld [smem:$0x3FFC];
	_ =	sdelay $0x3  }
0x94: {  	_ =	strace s3  }
0x95: {  	s3 =	sld [smem:$0x3FFD];
	_ =	sdelay $0x3  }
0x96: {  	_ =	strace s3  }
0x97: {  	_ =	strace $0x8FFFFFFF  }
0x98: {  	s19 =	sld [smem:$0x3FDB];
	_ =	sdelay $0x1  }
0x99: {  	s4 =	simm.s32 $_scs_section_size  }
0x9a: {  	s5 =	simm.s32 $_size__tile_overlayer_lowered;
	s6 =	simm.s32 $_tile_overlayer_lowered  }
0x9b: {  	s22 =	simm.s32 $0x1BFF;
	s21 =	sshll.u32 s6, $0x1;
	s3 =	sadd.s32 s4, s19  }
0x9c: {  	s7 =	simm.s32 $0x0;
	s20 =	sshll.u32 s5, $0x1;
	s5 =	sadd.s32 s21, s3  }
0x9d: {  	[timem:s7], [sflag:s22] =	dma.local [hbm:s5], s20  }
0x9e: {  	_ =	swait.ge [sflag:s22], s20  }
0x9f: {  	s4 =	ssub.s32 $0x0, s20;
	[sflag:s22] =	ssyncset.done $0x0  }
0xa0: {  	[sflag:s22] =	ssyncadd.s32 s4;
	_ =	sdelay $0x1  }
0xa1: {  	s23 =	simm.s32 $0x1B8B  }
0xa2: {  	_ =	swait.ge [sflag:s23], $0x1  }
0xa3: {  	[sflag:s23] =	ssyncset.done $0x0  }
0xa4: {  	s25 =	simm.s32 $0x1B8E;
	s24 =	sld [smem:$0x3FFE];
	[sflag:s23] =	ssyncadd.s32 $0xFFFFFFFF  }
0xa5: {  	s26 =	simm.s32 $execute0_lowered;
	[smem:$0x3FD2] =	sst s25  }
0xa6: {  	s5 =	sshll.u32 s26, $0x1;
	_ =	strace $0x80000046;
	[dreg:$0x1] =	wrdreg $0xFFFFFFFF  }
0xa7: {  	s28 =	simm.s32 $_size_execute0_lowered;
	s3 =	sadd.s32 s3, s5;
	[dreg:$0x0] =	wrdreg $0x0  }
0xa8: {  	s5 =	sshll.u32 s28, $0x1;
	[dreg:$0x2] =	wrdreg s3  }
0xa9: {  	[dreg:$0x3] =	wrdreg s5  }
0xaa: {  	[dreg:$0x4] =	wrdreg $0xC0  }
0xab: {  	_ =	task [dreg:s7], $0x5FFFF  }
0xac: {  	[dreg:$0x1] =	wrdreg $0xFFFFFFFF  }
0xad: {  	[dreg:$0x0] =	wrdreg $0x60  }
0xae: {  	[dreg:$0x2] =	wrdreg s24  }
0xaf: {  	[dreg:$0x3] =	wrdreg s2  }
0xb0: {  	[dreg:$0x4] =	wrdreg $0x9  }
0xb1: {  	_ =	task.clear_ibuf [dreg:s7], $0x5FFFF;
	_ =	strace $0x90000046  }
0xb2: {  	s29 =	simm.s32 $0x9;
	_ =	strace $0x80000048  }
0xb3: {  	_ =	swait.ge [sflag:s29], $0x1  }
0xb4: {  	[sflag:s29] =	ssyncadd.s32 $0xFFFFFFFF  }
0xb5: {  	_ =	strace $0x90000048  }
0xb6: {  	_ =	sfence  }
0xb7: {  	s30 =	sld [smem:$0x0];
	_ =	sdelay $0x2  }
0xb8: {  	s31 =	sshll.u32 s1, $0xD;
	s1 =	sshrl.u32 s1, $0x2  }
0xb9: {  	s3 =	sand.u32 $0x4000, s31;
	s1 =	sadd.s32 s1, s30  }
0xba: {  	s0 =	sor.u32 s3, s0;
	s1 =	sshll.u32 s1, $0x11  }
0xbb: {  	s0 =	sor.u32 s1, s0  }
0xbc: {  	s0 =	sadd.s32 $0x8F2B, s0  }
0xbd: {  	[sflag:s0] =	ssyncadd.remote.s32 $0x1  }
0xbe: {  	_ =	sfence.sel $0xFFFF  }
0xbf: {  	[dreg:$0x0] =	wrdreg $0xFFFFFFFF;
	(pc) =	sbr.abs _section_cstart, $3  }
0xc0: {  	[dreg:$0x1] =	wrdreg $0xFFFFFFFF  }
0xc1: {  	_ =	task.clear_ibuf [dreg:s7], $0x2FFFF;
	_ =	strace $0x9FFFFFFF  }
0xc2: {  	(tm) =	ssettm $0x7FFFFFFF  }
0xc3: {  	_ =	shalt  }
tec
execute0_lowered:
.L_overlay_start_1:
0x0: {  	(tag) =	ssettag $0x1  }
0x1: {  	s0 =	srdreg.scid;
	s1 =	rddreg [dreg:$0x0]  }
0x2: {  	s8 =	stileid.u32;
	s4 =	rddreg [dreg:$0x1]  }
0x3: {  	s2 =	simm.s32 $0x0;
	s10 =	simm.s32 $0x32;
	s29 =	simm.s32 $0x7000  }
0x4: {  	s12 =	simm.s32 $0x7640;
	s16 =	simm.s32 $0x7C80;
	s20 =	simm.s32 $0x82C0  }
0x5: {  	s18 =	simm.s32 $0x8900;
	s14 =	simm.s32 $0x9580;
	s22 =	simm.s32 $0xA200  }
0x6: {  	s9 =	simm.s32 $0xC140;
	s13 =	simm.s32 $0xCDC0;
	s15 =	simm.s32 $0xDA40  }
0x7: {  	s17 =	simm.s32 $0xE080;
	s19 =	simm.s32 $0xE6C0;
	s30 =	simm.s32 $0xF340  }
0x8: {  	s31 =	simm.s32 $0xF980;
	s21 =	simm.s32 $0x1;
	s23 =	simm.s32 $0x2  }
0x9: {  	s28 =	simm.s32 $0x4;
	s11 =	simm.s32 $0x0;
	s0 =	sand.u32 $0x1, s0  }
0xa: {  	s3 =	sshll.u32 s8, $0xA;
	[smem:$0x7FF] =	sst s2;
	s8 =	smul.u32 $0x32000, s8  }
0xb: {  	s2 =	simm.s32 $0xED00;
	s5 =	sshll.u32 s0, $0x9;
	_ =	strace $0x80000047  }
0xc: {  	s7 =	ssub.s32 $0x2, s0;
	s0 =	smul.u32 $0x19000, s0;
	s3 =	sor.u32 s5, s3  }
0xd: {  	s24 =	sshrl.u32 s7, $0x1;
	s25 =	sadd.s32 s8, s4;
	s5 =	smul.u32 $0x7, s3  }
0xe: {  	s8 =	simm.s32 $0xC780;
	s6 =	smul.u32 $0xC8, s3;
	s0 =	sadd.s32 s0, s25  }
0xf: {  	s3 =	sadd.s32 $0xF42E00, s1;
	s25 =	simm.s32 $0x3;
	s0 =	sadd.s32 $0x1900, s0  }
0x10: {  	s1 =	sadd.s32 s5, s1;
	s5 =	ssub.s32 s7, s24;
	s4 =	sadd.s32 s4, s6  }
0x11: {  	[dreg:$0x7] =	wrdreg s0;
	s24 =	simm.s32 $0x8F40;
	s7 =	simm.s32 $0xB4C0  }
0x12: {  	s6 =	simm.s32 $0xBB00;
	s1 =	sadd.s32 $0xA00, s1;
	[dreg:$0x5] =	wrdreg s4  }
0x13: {  	s0 =	simm.s32 $0xD400;
	s5 =	smax.u32 s5, $0x1;
	[dreg:$0x3] =	wrdreg s1  }
0x14: {  	s26 =	sadd.s32 $0xC80, s4;
	s4 =	simm.s32 $0xA840;
	[dreg:$0x4] =	wrdreg s5  }
0x15: {  	[dreg:$0x6] =	wrdreg s26;
	s26 =	simm.s32 $0x9BC0;
	s5 =	simm.s32 $0xAE80  }
.LBB2_1:
0x16: {  	[dreg:$0x8] =	wrdreg s11  }
0x17: {  	s1 =	rddreg [dreg:$0x3];
	s11 =	simm.s32 $0x0  }
0x18: {  	[tilespmem:s11], [sflag:$0x5] =	stream.linear.gather [hbm4b:s1+s11], $0x7000, $0x38;
	[tilespmem:$0x13800] =	vst v63  }
0x19: {  	s1 =	simm.s32 $0x5  }
0x1a: {  	_ =	swait.ge [sflag:s1], $0x7000  }
0x1b: {  	[sflag:s1] =	ssyncset.done $0x0  }
0x1c: {  	[sflag:s1] =	ssyncadd.s32 $0xFFFF9000  }
0x1d: {  	[tilespmem:s29], [sflag:$0x1] =	stream.indirect.gather [hbm4b:s3+s10], $0x20, s11, s10, $0xb8;
	[tilespmem:$0x13800] =	vst v63  }
0x1e: {  	s1 =	simm.s32 $0x38  }
0x1f: {  	[tilespmem:s12], [sflag:$0x1] =	stream.indirect.gather [hbm4b:s3+s10], $0x20, s1, s10, $0xb8;
	[tilespmem:$0x13800] =	vst v63  }
0x20: {  	s1 =	simm.s32 $0x70  }
0x21: {  	[tilespmem:s16], [sflag:$0x1] =	stream.indirect.gather [hbm4b:s3+s10], $0x20, s1, s10, $0xb8;
	[tilespmem:$0x13800] =	vst v63  }
0x22: {  	s1 =	simm.s32 $0xA8  }
0x23: {  	[tilespmem:s20], [sflag:$0x1] =	stream.indirect.gather [hbm4b:s3+s10], $0x20, s1, s10, $0xb8;
	[tilespmem:$0x13800] =	vst v63  }
0x24: {  	s1 =	simm.s32 $0xE0  }
0x25: {  	[tilespmem:s18], [sflag:$0x1] =	stream.indirect.gather [hbm4b:s3+s10], $0x20, s1, s10, $0xb8;
	[tilespmem:$0x13800] =	vst v63  }
0x26: {  	s1 =	simm.s32 $0x118  }
0x27: {  	[tilespmem:s24], [sflag:$0x1] =	stream.indirect.gather [hbm4b:s3+s10], $0x20, s1, s10, $0xb8;
	[tilespmem:$0x13800] =	vst v63  }
0x28: {  	s1 =	simm.s32 $0x150  }
0x29: {  	[tilespmem:s14], [sflag:$0x1] =	stream.indirect.gather [hbm4b:s3+s10], $0x20, s1, s10, $0xb8;
	[tilespmem:$0x13800] =	vst v63  }
0x2a: {  	s1 =	simm.s32 $0x188  }
0x2b: {  	[tilespmem:s26], [sflag:$0x1] =	stream.indirect.gather [hbm4b:s3+s10], $0x20, s1, s10, $0xb8;
	[tilespmem:$0x13800] =	vst v63  }
0x2c: {  	s1 =	simm.s32 $0x1C0  }
0x2d: {  	[tilespmem:s22], [sflag:$0x1] =	stream.indirect.gather [hbm4b:s3+s10], $0x20, s1, s10, $0xb8;
	[tilespmem:$0x13800] =	vst v63  }
0x2e: {  	s1 =	simm.s32 $0x1F8  }
0x2f: {  	[tilespmem:s4], [sflag:$0x1] =	stream.indirect.gather [hbm4b:s3+s10], $0x20, s1, s10, $0xb8;
	[tilespmem:$0x13800] =	vst v63  }
0x30: {  	s1 =	simm.s32 $0x230  }
0x31: {  	[tilespmem:s5], [sflag:$0x1] =	stream.indirect.gather [hbm4b:s3+s10], $0x20, s1, s10, $0xb8;
	[tilespmem:$0x13800] =	vst v63  }
0x32: {  	s1 =	simm.s32 $0x268  }
0x33: {  	[tilespmem:s7], [sflag:$0x1] =	stream.indirect.gather [hbm4b:s3+s10], $0x20, s1, s10, $0xb8;
	[tilespmem:$0x13800] =	vst v63  }
0x34: {  	s1 =	simm.s32 $0x2A0  }
0x35: {  	[tilespmem:s6], [sflag:$0x1] =	stream.indirect.gather [hbm4b:s3+s10], $0x20, s1, s10, $0xb8;
	[tilespmem:$0x13800] =	vst v63  }
0x36: {  	s1 =	simm.s32 $0x2D8  }
0x37: {  	[tilespmem:s9], [sflag:$0x1] =	stream.indirect.gather [hbm4b:s3+s10], $0x20, s1, s10, $0xb8;
	[tilespmem:$0x13800] =	vst v63  }
0x38: {  	s1 =	simm.s32 $0x310  }
0x39: {  	[tilespmem:s8], [sflag:$0x1] =	stream.indirect.gather [hbm4b:s3+s10], $0x20, s1, s10, $0xb8;
	[tilespmem:$0x13800] =	vst v63  }
0x3a: {  	s1 =	simm.s32 $0x348  }
0x3b: {  	[tilespmem:s13], [sflag:$0x1] =	stream.indirect.gather [hbm4b:s3+s10], $0x20, s1, s10, $0xb8;
	[tilespmem:$0x13800] =	vst v63  }
0x3c: {  	s1 =	simm.s32 $0x380  }
0x3d: {  	[tilespmem:s0], [sflag:$0x2] =	stream.indirect.gather [hbm4b:s3+s10], $0x20, s1, s10, $0xb8;
	[tilespmem:$0x13800] =	vst v63  }
0x3e: {  	s1 =	simm.s32 $0x3B8  }
0x3f: {  	[tilespmem:s15], [sflag:$0x2] =	stream.indirect.gather [hbm4b:s3+s10], $0x20, s1, s10, $0xb8;
	[tilespmem:$0x13800] =	vst v63  }
0x40: {  	s1 =	simm.s32 $0x3F0  }
0x41: {  	[tilespmem:s17], [sflag:$0x2] =	stream.indirect.gather [hbm4b:s3+s10], $0x20, s1, s10, $0xb8;
	[tilespmem:$0x13800] =	vst v63  }
0x42: {  	s1 =	simm.s32 $0x428  }
0x43: {  	[tilespmem:s19], [sflag:$0x2] =	stream.indirect.gather [hbm4b:s3+s10], $0x20, s1, s10, $0xb8;
	[tilespmem:$0x13800] =	vst v63  }
0x44: {  	s1 =	simm.s32 $0x460  }
0x45: {  	[tilespmem:s2], [sflag:$0x2] =	stream.indirect.gather [hbm4b:s3+s10], $0x20, s1, s10, $0xb8;
	[tilespmem:$0x13800] =	vst v63  }
0x46: {  	s2 =	simm.s32 $0x498  }
0x47: {  	[tilespmem:s30], [sflag:$0x2] =	stream.indirect.gather [hbm4b:s3+s10], $0x20, s2, s10, $0xb8;
	[tilespmem:$0x13800] =	vst v63  }
0x48: {  	s2 =	simm.s32 $0x4D0  }
0x49: {  	[tilespmem:s31], [sflag:$0x2] =	stream.indirect.gather [hbm4b:s3+s10], $0x20, s2, s10, $0xb8;
	[tilespmem:$0x13800] =	vst v63  }
0x4a: {  	s1 =	simm.s32 $0x508;
	s2 =	simm.s32 $0xFFC0  }
0x4b: {  	[tilespmem:s2], [sflag:$0x2] =	stream.indirect.gather [hbm4b:s3+s10], $0x20, s1, s10, $0xb8;
	[tilespmem:$0x13800] =	vst v63  }
0x4c: {  	s2 =	simm.s32 $0x10600;
	s1 =	simm.s32 $0x540  }
0x4d: {  	[tilespmem:s2], [sflag:$0x2] =	stream.indirect.gather [hbm4b:s3+s10], $0x20, s1, s10, $0xb8;
	[tilespmem:$0x13800] =	vst v63  }
0x4e: {  	s2 =	simm.s32 $0x10C40;
	s1 =	simm.s32 $0x578  }
0x4f: {  	[tilespmem:s2], [sflag:$0x2] =	stream.indirect.gather [hbm4b:s3+s10], $0x20, s1, s10, $0xb8;
	[tilespmem:$0x13800] =	vst v63  }
0x50: {  	s2 =	simm.s32 $0x11280;
	s1 =	simm.s32 $0x5B0  }
0x51: {  	[tilespmem:s2], [sflag:$0x2] =	stream.indirect.gather [hbm4b:s3+s10], $0x20, s1, s10, $0xb8;
	[tilespmem:$0x13800] =	vst v63  }
0x52: {  	s2 =	simm.s32 $0x118C0;
	s1 =	simm.s32 $0x5E8  }
0x53: {  	[tilespmem:s2], [sflag:$0x2] =	stream.indirect.gather [hbm4b:s3+s10], $0x20, s1, s10, $0xb8;
	[tilespmem:$0x13800] =	vst v63  }
0x54: {  	s2 =	simm.s32 $0x11F00;
	s1 =	simm.s32 $0x620  }
0x55: {  	[tilespmem:s2], [sflag:$0x2] =	stream.indirect.gather [hbm4b:s3+s10], $0x20, s1, s10, $0xb8;
	[tilespmem:$0x13800] =	vst v63  }
0x56: {  	s2 =	simm.s32 $0x12540;
	s1 =	simm.s32 $0x658  }
0x57: {  	[tilespmem:s2], [sflag:$0x2] =	stream.indirect.gather [hbm4b:s3+s10], $0x20, s1, s10, $0xb8;
	[tilespmem:$0x13800] =	vst v63  }
0x58: {  	s2 =	simm.s32 $0x12B80;
	s1 =	simm.s32 $0x690  }
0x59: {  	[tilespmem:s2], [sflag:$0x2] =	stream.indirect.gather [hbm4b:s3+s10], $0x20, s1, s10, $0xb8;
	[tilespmem:$0x13800] =	vst v63  }
0x5a: {  	s29 =	simm.s32 $0x131C0;
	s1 =	simm.s32 $0x6C8  }
0x5b: {  	[tilespmem:s29], [sflag:$0x2] =	stream.indirect.gather [hbm4b:s3+s10], $0x20, s1, s10, $0xb8;
	[tilespmem:$0x13800] =	vst v63  }
0x5c: {  	_ =	swait.ge [sflag:s21], $0x6400  }
0x5d: {  	[sflag:s21] =	ssyncset.done $0x0  }
0x5e: {  	s2 =	simm.s32 $0x7000;
	s1 =	rddreg [dreg:$0x5];
	[sflag:s21] =	ssyncadd.s32 $0xFFFF9C00  }
0x5f: {  	[hbm4b:s1+s11] =	stream.linear.scatter [tilespmem:s2], [sflag:$0x3], $0x6400, $0x38;
	[tilespmem:$0x13800] =	vst v63  }
0x60: {  	_ =	swait.ge [sflag:s23], $0x6400  }
0x61: {  	[sflag:s23] =	ssyncset.done $0x0  }
0x62: {  	s1 =	rddreg [dreg:$0x6];
	[sflag:s23] =	ssyncadd.s32 $0xFFFF9C00  }
0x63: {  	[hbm4b:s1+s11] =	stream.linear.scatter [tilespmem:s0], [sflag:$0x4], $0x6400, $0x38;
	[tilespmem:$0x13800] =	vst v63  }
0x64: {  	_ =	swait.ge [sflag:s25], $0x6400  }
0x65: {  	[sflag:s25] =	ssyncset.done $0x0  }
0x66: {  	s1 =	simm.s32 $0x700;
	[sflag:s25] =	ssyncadd.s32 $0xFFFF9C00  }
0x67: {  	[tilespmem:s2], [sflag:$0x1] =	stream.indirect.gather [hbm4b:s3+s10], $0x20, s1, s10, $0xb8;
	[tilespmem:$0x13800] =	vst v63  }
0x68: {  	s2 =	simm.s32 $0x738  }
0x69: {  	[tilespmem:s12], [sflag:$0x1] =	stream.indirect.gather [hbm4b:s3+s10], $0x20, s2, s10, $0xb8;
	[tilespmem:$0x13800] =	vst v63  }
0x6a: {  	s12 =	simm.s32 $0x770  }
0x6b: {  	[tilespmem:s16], [sflag:$0x1] =	stream.indirect.gather [hbm4b:s3+s10], $0x20, s12, s10, $0xb8;
	[tilespmem:$0x13800] =	vst v63  }
0x6c: {  	s2 =	simm.s32 $0x7A8  }
0x6d: {  	[tilespmem:s20], [sflag:$0x1] =	stream.indirect.gather [hbm4b:s3+s10], $0x20, s2, s10, $0xb8;
	[tilespmem:$0x13800] =	vst v63  }
0x6e: {  	s12 =	simm.s32 $0x7E0  }
0x6f: {  	[tilespmem:s18], [sflag:$0x1] =	stream.indirect.gather [hbm4b:s3+s10], $0x20, s12, s10, $0xb8;
	[tilespmem:$0x13800] =	vst v63  }
0x70: {  	s16 =	simm.s32 $0x818  }
0x71: {  	[tilespmem:s24], [sflag:$0x1] =	stream.indirect.gather [hbm4b:s3+s10], $0x20, s16, s10, $0xb8;
	[tilespmem:$0x13800] =	vst v63  }
0x72: {  	s18 =	simm.s32 $0x850  }
0x73: {  	[tilespmem:s14], [sflag:$0x1] =	stream.indirect.gather [hbm4b:s3+s10], $0x20, s18, s10, $0xb8;
	[tilespmem:$0x13800] =	vst v63  }
0x74: {  	s20 =	simm.s32 $0x888  }
0x75: {  	[tilespmem:s26], [sflag:$0x1] =	stream.indirect.gather [hbm4b:s3+s10], $0x20, s20, s10, $0xb8;
	[tilespmem:$0x13800] =	vst v63  }
0x76: {  	s24 =	simm.s32 $0x8C0  }
0x77: {  	[tilespmem:s22], [sflag:$0x1] =	stream.indirect.gather [hbm4b:s3+s10], $0x20, s24, s10, $0xb8;
	[tilespmem:$0x13800] =	vst v63  }
0x78: {  	s26 =	simm.s32 $0x8F8  }
0x79: {  	[tilespmem:s4], [sflag:$0x1] =	stream.indirect.gather [hbm4b:s3+s10], $0x20, s26, s10, $0xb8;
	[tilespmem:$0x13800] =	vst v63  }
0x7a: {  	s2 =	simm.s32 $0x930  }
0x7b: {  	[tilespmem:s5], [sflag:$0x1] =	stream.indirect.gather [hbm4b:s3+s10], $0x20, s2, s10, $0xb8;
	[tilespmem:$0x13800] =	vst v63  }
0x7c: {  	s4 =	simm.s32 $0x968  }
0x7d: {  	[tilespmem:s7], [sflag:$0x1] =	stream.indirect.gather [hbm4b:s3+s10], $0x20, s4, s10, $0xb8;
	[tilespmem:$0x13800] =	vst v63  }
0x7e: {  	s5 =	simm.s32 $0x9A0  }
0x7f: {  	[tilespmem:s6], [sflag:$0x1] =	stream.indirect.gather [hbm4b:s3+s10], $0x20, s5, s10, $0xb8;
	[tilespmem:$0x13800] =	vst v63  }
0x80: {  	s7 =	simm.s32 $0x9D8  }
0x81: {  	[tilespmem:s9], [sflag:$0x1] =	stream.indirect.gather [hbm4b:s3+s10], $0x20, s7, s10, $0xb8;
	[tilespmem:$0x13800] =	vst v63  }
0x82: {  	s9 =	simm.s32 $0xA10  }
0x83: {  	[tilespmem:s8], [sflag:$0x1] =	stream.indirect.gather [hbm4b:s3+s10], $0x20, s9, s10, $0xb8;
	[tilespmem:$0x13800] =	vst v63  }
0x84: {  	s12 =	simm.s32 $0xA48  }
0x85: {  	[tilespmem:s13], [sflag:$0x1] =	stream.indirect.gather [hbm4b:s3+s10], $0x20, s12, s10, $0xb8;
	[tilespmem:$0x13800] =	vst v63  }
0x86: {  	_ =	swait.ge [sflag:s28], $0x6400  }
0x87: {  	[sflag:s28] =	ssyncset.done $0x0  }
0x88: {  	s13 =	simm.s32 $0xA80;
	[sflag:s28] =	ssyncadd.s32 $0xFFFF9C00  }
0x89: {  	[tilespmem:s0], [sflag:$0x2] =	stream.indirect.gather [hbm4b:s3+s10], $0x20, s13, s10, $0xb8;
	[tilespmem:$0x13800] =	vst v63  }
0x8a: {  	s14 =	simm.s32 $0xAB8  }
0x8b: {  	[tilespmem:s15], [sflag:$0x2] =	stream.indirect.gather [hbm4b:s3+s10], $0x20, s14, s10, $0xb8;
	[tilespmem:$0x13800] =	vst v63  }
0x8c: {  	s16 =	simm.s32 $0xAF0  }
0x8d: {  	[tilespmem:s17], [sflag:$0x2] =	stream.indirect.gather [hbm4b:s3+s10], $0x20, s16, s10, $0xb8;
	[tilespmem:$0x13800] =	vst v63  }
0x8e: {  	s18 =	simm.s32 $0xB28  }
0x8f: {  	[tilespmem:s19], [sflag:$0x2] =	stream.indirect.gather [hbm4b:s3+s10], $0x20, s18, s10, $0xb8;
	[tilespmem:$0x13800] =	vst v63  }
0x90: {  	s20 =	simm.s32 $0xB60;
	s22 =	simm.s32 $0xED00  }
0x91: {  	[tilespmem:s22], [sflag:$0x2] =	stream.indirect.gather [hbm4b:s3+s10], $0x20, s20, s10, $0xb8;
	[tilespmem:$0x13800] =	vst v63  }
0x92: {  	s24 =	simm.s32 $0xB98  }
0x93: {  	[tilespmem:s30], [sflag:$0x2] =	stream.indirect.gather [hbm4b:s3+s10], $0x20, s24, s10, $0xb8;
	[tilespmem:$0x13800] =	vst v63  }
0x94: {  	s29 =	simm.s32 $0x7000;
	s26 =	simm.s32 $0xBD0;
	s2 =	simm.s32 $0xC08  }
0x95: {  	[tilespmem:s31], [sflag:$0x2] =	stream.indirect.gather [hbm4b:s3+s10], $0x20, s26, s10, $0xb8;
	[tilespmem:$0x13800] =	vst v63  }
0x96: {  	s4 =	simm.s32 $0xFFC0;
	s5 =	simm.s32 $0xC40;
	s6 =	simm.s32 $0x10600  }
0x97: {  	[tilespmem:s4], [sflag:$0x2] =	stream.indirect.gather [hbm4b:s3+s10], $0x20, s2, s10, $0xb8;
	[tilespmem:$0x13800] =	vst v63  }
0x98: {  	s7 =	simm.s32 $0xC78;
	s8 =	simm.s32 $0x10C40;
	s9 =	simm.s32 $0xCB0  }
0x99: {  	[tilespmem:s6], [sflag:$0x2] =	stream.indirect.gather [hbm4b:s3+s10], $0x20, s5, s10, $0xb8;
	[tilespmem:$0x13800] =	vst v63  }
0x9a: {  	s12 =	simm.s32 $0x11280;
	s13 =	simm.s32 $0xCE8;
	s14 =	simm.s32 $0x118C0  }
0x9b: {  	[tilespmem:s8], [sflag:$0x2] =	stream.indirect.gather [hbm4b:s3+s10], $0x20, s7, s10, $0xb8;
	[tilespmem:$0x13800] =	vst v63  }
0x9c: {  	s15 =	simm.s32 $0xD20;
	s16 =	simm.s32 $0x11F00;
	s17 =	simm.s32 $0xD58  }
0x9d: {  	[tilespmem:s12], [sflag:$0x2] =	stream.indirect.gather [hbm4b:s3+s10], $0x20, s9, s10, $0xb8;
	[tilespmem:$0x13800] =	vst v63  }
0x9e: {  	s18 =	simm.s32 $0x12540;
	s19 =	simm.s32 $0xD90;
	s20 =	simm.s32 $0x12B80  }
0x9f: {  	[tilespmem:s14], [sflag:$0x2] =	stream.indirect.gather [hbm4b:s3+s10], $0x20, s13, s10, $0xb8;
	[tilespmem:$0x13800] =	vst v63  }
0xa0: {  	s22 =	simm.s32 $0xDC8;
	s24 =	simm.s32 $0x131C0;
	s30 =	simm.s32 $0x1C00  }
0xa1: {  	[tilespmem:s16], [sflag:$0x2] =	stream.indirect.gather [hbm4b:s3+s10], $0x20, s15, s10, $0xb8;
	[tilespmem:$0x13800] =	vst v63  }
0xa2: {  	s31 =	simm.s32 $0x9BC0;
	s4 =	simm.s32 $0xA840;
	s2 =	simm.s32 $0xED00  }
0xa3: {  	[tilespmem:s18], [sflag:$0x2] =	stream.indirect.gather [hbm4b:s3+s10], $0x20, s17, s10, $0xb8;
	[tilespmem:$0x13800] =	vst v63  }
0xa4: {  	s5 =	simm.s32 $0xAE80;
	s6 =	simm.s32 $0xBB00;
	s7 =	simm.s32 $0xB4C0  }
0xa5: {  	[tilespmem:s20], [sflag:$0x2] =	stream.indirect.gather [hbm4b:s3+s10], $0x20, s19, s10, $0xb8;
	[tilespmem:$0x13800] =	vst v63  }
0xa6: {  	s8 =	simm.s32 $0xC780;
	s9 =	simm.s32 $0xC140;
	s13 =	simm.s32 $0xCDC0  }
0xa7: {  	[tilespmem:s24], [sflag:$0x2] =	stream.indirect.gather [hbm4b:s3+s10], $0x20, s22, s10, $0xb8;
	[tilespmem:$0x13800] =	vst v63  }
0xa8: {  	s14 =	simm.s32 $0x9580;
	s15 =	simm.s32 $0xDA40;
	_ =	swait.ge [sflag:s21], $0x6400  }
0xa9: {  	s17 =	simm.s32 $0xE080;
	s18 =	simm.s32 $0x8900;
	[sflag:s21] =	ssyncset.done $0x0  }
0xaa: {  	s19 =	simm.s32 $0xE6C0;
	s26 =	rddreg [dreg:$0x7];
	[sflag:s21] =	ssyncadd.s32 $0xFFFF9C00  }
0xab: {  	[hbm4b:s26+s11] =	stream.linear.scatter [tilespmem:s29], [sflag:$0x3], $0x6400, $0x38;
	[tilespmem:$0x13800] =	vst v63  }
0xac: {  	s20 =	simm.s32 $0xF980;
	s24 =	simm.s32 $0x7C80;
	_ =	swait.ge [sflag:s23], $0x6400  }
0xad: {  	s12 =	sadd.s32 $0xC80, s26;
	s1 =	sadd.s32 $0x1900, s26;
	[sflag:s23] =	ssyncset.done $0x0  }
0xae: {  	s29 =	simm.s32 $0x7000;
	s26 =	simm.s32 $0x8F40;
	[sflag:s23] =	ssyncadd.s32 $0xFFFF9C00  }
.LBB2_2:
0xaf: {  	s11 =	simm.s32 $0x0  }
0xb0: {  	[hbm4b:s12+s11] =	stream.linear.scatter [tilespmem:s0], [sflag:$0x4], $0x6400, $0x38;
	[tilespmem:$0x13800] =	vst v63  }
0xb1: {  	s12 =	smov.u32 s30  }
0xb2: {  	p0 =	sne.s32 s30, $0x18800;
	s30 =	sadd.s32 $0x1C00, s30;
	_ =	swait.ge [sflag:s25], $0x6400  }
0xb3: {  	s12 =	sshra.s32 s12, $0x2;
	[sflag:s25] =	ssyncset.done $0x0  }
0xb4: {  	s16 =	sadd.s32 $0x700, s12;
	[sflag:s25] =	ssyncadd.s32 $0xFFFF9C00  }
0xb5: {  	[tilespmem:s29], [sflag:$0x1] =	stream.indirect.gather [hbm4b:s3+s10], $0x20, s16, s10, $0xb8;
	[tilespmem:$0x13800] =	vst v63  }
0xb6: {  	s22 =	simm.s32 $0x7640;
	s16 =	sadd.s32 $0x738, s12  }
0xb7: {  	[tilespmem:s22], [sflag:$0x1] =	stream.indirect.gather [hbm4b:s3+s10], $0x20, s16, s10, $0xb8;
	[tilespmem:$0x13800] =	vst v63  }
0xb8: {  	s16 =	sadd.s32 $0x770, s12  }
0xb9: {  	[tilespmem:s24], [sflag:$0x1] =	stream.indirect.gather [hbm4b:s3+s10], $0x20, s16, s10, $0xb8;
	[tilespmem:$0x13800] =	vst v63  }
0xba: {  	s22 =	simm.s32 $0x82C0;
	s16 =	sadd.s32 $0x7A8, s12  }
0xbb: {  	[tilespmem:s22], [sflag:$0x1] =	stream.indirect.gather [hbm4b:s3+s10], $0x20, s16, s10, $0xb8;
	[tilespmem:$0x13800] =	vst v63  }
0xbc: {  	s16 =	sadd.s32 $0x7E0, s12  }
0xbd: {  	[tilespmem:s18], [sflag:$0x1] =	stream.indirect.gather [hbm4b:s3+s10], $0x20, s16, s10, $0xb8;
	[tilespmem:$0x13800] =	vst v63  }
0xbe: {  	s16 =	sadd.s32 $0x818, s12  }
0xbf: {  	[tilespmem:s26], [sflag:$0x1] =	stream.indirect.gather [hbm4b:s3+s10], $0x20, s16, s10, $0xb8;
	[tilespmem:$0x13800] =	vst v63  }
0xc0: {  	s16 =	sadd.s32 $0x850, s12  }
0xc1: {  	[tilespmem:s14], [sflag:$0x1] =	stream.indirect.gather [hbm4b:s3+s10], $0x20, s16, s10, $0xb8;
	[tilespmem:$0x13800] =	vst v63  }
0xc2: {  	s16 =	sadd.s32 $0x888, s12  }
0xc3: {  	[tilespmem:s31], [sflag:$0x1] =	stream.indirect.gather [hbm4b:s3+s10], $0x20, s16, s10, $0xb8;
	[tilespmem:$0x13800] =	vst v63  }
0xc4: {  	s22 =	simm.s32 $0xA200;
	s16 =	sadd.s32 $0x8C0, s12  }
0xc5: {  	[tilespmem:s22], [sflag:$0x1] =	stream.indirect.gather [hbm4b:s3+s10], $0x20, s16, s10, $0xb8;
	[tilespmem:$0x13800] =	vst v63  }
0xc6: {  	s16 =	sadd.s32 $0x8F8, s12  }
0xc7: {  	[tilespmem:s4], [sflag:$0x1] =	stream.indirect.gather [hbm4b:s3+s10], $0x20, s16, s10, $0xb8;
	[tilespmem:$0x13800] =	vst v63  }
0xc8: {  	s16 =	sadd.s32 $0x930, s12  }
0xc9: {  	[tilespmem:s5], [sflag:$0x1] =	stream.indirect.gather [hbm4b:s3+s10], $0x20, s16, s10, $0xb8;
	[tilespmem:$0x13800] =	vst v63  }
0xca: {  	s16 =	sadd.s32 $0x968, s12  }
0xcb: {  	[tilespmem:s7], [sflag:$0x1] =	stream.indirect.gather [hbm4b:s3+s10], $0x20, s16, s10, $0xb8;
	[tilespmem:$0x13800] =	vst v63  }
0xcc: {  	s16 =	sadd.s32 $0x9A0, s12  }
0xcd: {  	[tilespmem:s6], [sflag:$0x1] =	stream.indirect.gather [hbm4b:s3+s10], $0x20, s16, s10, $0xb8;
	[tilespmem:$0x13800] =	vst v63  }
0xce: {  	s16 =	sadd.s32 $0x9D8, s12  }
0xcf: {  	[tilespmem:s9], [sflag:$0x1] =	stream.indirect.gather [hbm4b:s3+s10], $0x20, s16, s10, $0xb8;
	[tilespmem:$0x13800] =	vst v63  }
0xd0: {  	s16 =	sadd.s32 $0xA10, s12  }
0xd1: {  	[tilespmem:s8], [sflag:$0x1] =	stream.indirect.gather [hbm4b:s3+s10], $0x20, s16, s10, $0xb8;
	[tilespmem:$0x13800] =	vst v63  }
0xd2: {  	s16 =	sadd.s32 $0xA48, s12  }
0xd3: {  	[tilespmem:s13], [sflag:$0x1] =	stream.indirect.gather [hbm4b:s3+s10], $0x20, s16, s10, $0xb8;
	[tilespmem:$0x13800] =	vst v63  }
0xd4: {  	_ =	swait.ge [sflag:s28], $0x6400  }
0xd5: {  	[sflag:s28] =	ssyncset.done $0x0  }
0xd6: {  	s16 =	sadd.s32 $0xA80, s12;
	[sflag:s28] =	ssyncadd.s32 $0xFFFF9C00  }
0xd7: {  	[tilespmem:s0], [sflag:$0x2] =	stream.indirect.gather [hbm4b:s3+s10], $0x20, s16, s10, $0xb8;
	[tilespmem:$0x13800] =	vst v63  }
0xd8: {  	s16 =	sadd.s32 $0xAB8, s12  }
0xd9: {  	[tilespmem:s15], [sflag:$0x2] =	stream.indirect.gather [hbm4b:s3+s10], $0x20, s16, s10, $0xb8;
	[tilespmem:$0x13800] =	vst v63  }
0xda: {  	s16 =	sadd.s32 $0xAF0, s12  }
0xdb: {  	[tilespmem:s17], [sflag:$0x2] =	stream.indirect.gather [hbm4b:s3+s10], $0x20, s16, s10, $0xb8;
	[tilespmem:$0x13800] =	vst v63  }
0xdc: {  	s16 =	sadd.s32 $0xB28, s12  }
0xdd: {  	[tilespmem:s19], [sflag:$0x2] =	stream.indirect.gather [hbm4b:s3+s10], $0x20, s16, s10, $0xb8;
	[tilespmem:$0x13800] =	vst v63  }
0xde: {  	s16 =	sadd.s32 $0xB60, s12  }
0xdf: {  	[tilespmem:s2], [sflag:$0x2] =	stream.indirect.gather [hbm4b:s3+s10], $0x20, s16, s10, $0xb8;
	[tilespmem:$0x13800] =	vst v63  }
0xe0: {  	s22 =	simm.s32 $0xF340;
	s16 =	sadd.s32 $0xB98, s12  }
0xe1: {  	[tilespmem:s22], [sflag:$0x2] =	stream.indirect.gather [hbm4b:s3+s10], $0x20, s16, s10, $0xb8;
	[tilespmem:$0x13800] =	vst v63  }
0xe2: {  	s16 =	sadd.s32 $0xBD0, s12  }
0xe3: {  	[tilespmem:s20], [sflag:$0x2] =	stream.indirect.gather [hbm4b:s3+s10], $0x20, s16, s10, $0xb8;
	[tilespmem:$0x13800] =	vst v63  }
0xe4: {  	s22 =	simm.s32 $0xFFC0;
	s16 =	sadd.s32 $0xC08, s12  }
0xe5: {  	[tilespmem:s22], [sflag:$0x2] =	stream.indirect.gather [hbm4b:s3+s10], $0x20, s16, s10, $0xb8;
	[tilespmem:$0x13800] =	vst v63  }
0xe6: {  	s16 =	sadd.s32 $0xC40, s12;
	s22 =	simm.s32 $0x10600  }
0xe7: {  	[tilespmem:s22], [sflag:$0x2] =	stream.indirect.gather [hbm4b:s3+s10], $0x20, s16, s10, $0xb8;
	[tilespmem:$0x13800] =	vst v63  }
0xe8: {  	s16 =	sadd.s32 $0xC78, s12;
	s22 =	simm.s32 $0x10C40  }
0xe9: {  	[tilespmem:s22], [sflag:$0x2] =	stream.indirect.gather [hbm4b:s3+s10], $0x20, s16, s10, $0xb8;
	[tilespmem:$0x13800] =	vst v63  }
0xea: {  	s16 =	sadd.s32 $0xCB0, s12;
	s22 =	simm.s32 $0x11280  }
0xeb: {  	[tilespmem:s22], [sflag:$0x2] =	stream.indirect.gather [hbm4b:s3+s10], $0x20, s16, s10, $0xb8;
	[tilespmem:$0x13800] =	vst v63  }
0xec: {  	s16 =	sadd.s32 $0xCE8, s12;
	s22 =	simm.s32 $0x118C0  }
0xed: {  	[tilespmem:s22], [sflag:$0x2] =	stream.indirect.gather [hbm4b:s3+s10], $0x20, s16, s10, $0xb8;
	[tilespmem:$0x13800] =	vst v63  }
0xee: {  	s16 =	sadd.s32 $0xD20, s12;
	s22 =	simm.s32 $0x11F00  }
0xef: {  	[tilespmem:s22], [sflag:$0x2] =	stream.indirect.gather [hbm4b:s3+s10], $0x20, s16, s10, $0xb8;
	[tilespmem:$0x13800] =	vst v63  }
0xf0: {  	s16 =	sadd.s32 $0xD58, s12;
	s22 =	simm.s32 $0x12540  }
0xf1: {  	[tilespmem:s22], [sflag:$0x2] =	stream.indirect.gather [hbm4b:s3+s10], $0x20, s16, s10, $0xb8;
	[tilespmem:$0x13800] =	vst v63  }
0xf2: {  	s16 =	sadd.s32 $0xD90, s12;
	s22 =	simm.s32 $0x12B80  }
0xf3: {  	[tilespmem:s22], [sflag:$0x2] =	stream.indirect.gather [hbm4b:s3+s10], $0x20, s16, s10, $0xb8;
	[tilespmem:$0x13800] =	vst v63  }
0xf4: {  	s12 =	sadd.s32 $0xDC8, s12;
	s16 =	simm.s32 $0x131C0  }
0xf5: {  	[tilespmem:s16], [sflag:$0x2] =	stream.indirect.gather [hbm4b:s3+s10], $0x20, s12, s10, $0xb8;
	[tilespmem:$0x13800] =	vst v63  }
0xf6: {  	_ =	swait.ge [sflag:s21], $0x6400  }
0xf7: {  	[sflag:s21] =	ssyncset.done $0x0  }
.Ltmp0:
0xf8: {  	s16 =	simm.s32 $0x0;
	[sflag:s21] =	ssyncadd.s32 $0xFFFF9C00;
	(pc) =	sbr.rel @p0 .LBB2_2-.Ltmp0, $4  }
0xf9: {  	[hbm4b:s1+s11] =	stream.linear.scatter [tilespmem:s29], [sflag:$0x3], $0x6400, $0x38;
	[tilespmem:$0x13800] =	vst v63  }
0xfa: {  	_ =	swait.ge [sflag:s23], $0x6400  }
0xfb: {  	[sflag:s23] =	ssyncset.done $0x0  }
0xfc: {  	s12 =	sadd.s32 $0xC80, s1;
	s1 =	sadd.s32 $0x1900, s1;
	[sflag:s23] =	ssyncadd.s32 $0xFFFF9C00  }
0xfd: {  	[hbm4b:s12+s16] =	stream.linear.scatter [tilespmem:s0], [sflag:$0x4], $0x6400, $0x38;
	[tilespmem:$0x13800] =	vst v63  }
0xfe: {  	_ =	swait.ge [sflag:s25], $0x6400  }
0xff: {  	s12 =	simm.s32 $0x7640;
	[sflag:s25] =	ssyncset.done $0x0  }
0x100: {  	s16 =	simm.s32 $0x7C80;
	s20 =	simm.s32 $0x82C0;
	[sflag:s25] =	ssyncadd.s32 $0xFFFF9C00  }
0x101: {  	s18 =	simm.s32 $0x8900;
	s24 =	simm.s32 $0x8F40;
	_ =	swait.ge [sflag:s28], $0x6400  }
0x102: {  	s14 =	simm.s32 $0x9580;
	s26 =	simm.s32 $0x9BC0;
	s11 =	rddreg [dreg:$0x8]  }
0x103: {  	s22 =	simm.s32 $0xA200;
	s1 =	rddreg [dreg:$0x4];
	s11 =	sadd.s32 $0x1, s11  }
0x104: {  	s4 =	simm.s32 $0xA840;
	s5 =	simm.s32 $0xAE80;
	p0 =	sne.s32 s11, s1  }
.Ltmp1:
0x105: {  	s7 =	simm.s32 $0xB4C0;
	s6 =	simm.s32 $0xBB00;
	(pc) =	sbr.rel @p0 .LBB2_1-.Ltmp1, $4  }
0x106: {  	s9 =	simm.s32 $0xC140;
	s8 =	simm.s32 $0xC780;
	s13 =	simm.s32 $0xCDC0  }
0x107: {  	s15 =	simm.s32 $0xDA40;
	s17 =	simm.s32 $0xE080;
	s19 =	simm.s32 $0xE6C0  }
0x108: {  	s2 =	simm.s32 $0xED00;
	s29 =	simm.s32 $0x7000;
	[sflag:s28] =	ssyncset.done $0x0  }
0x109: {  	s30 =	simm.s32 $0xF340;
	s31 =	simm.s32 $0xF980;
	[sflag:s28] =	ssyncadd.s32 $0xFFFF9C00  }
0x10a: {  	_ =	sfence.sel $0x180000  }
0x10b: {  	[bflag:$0x0] =	sbarrier.arrive $0xFFFF  }
0x10c: {  	_ =	strace $0x90000047  }
0x10d: {  	s0 =	stileid.u32;
	[bflag:$0x2] =	sbarrier.arrive $0xFFFF  }
0x10e: {  	p0 =	sne.s32 s0, $0x0;
	s0 =	rddreg [dreg:$0x2]  }
0x10f: {  	s0 =	sadd.s32 @!p0 $0x100000, s0  }
0x110: {  	[sflag:s0] =	ssyncadd.tile.s32 @!p0 $0x1;
	_ =	shalt  }
.Lfunc_end2:
_tile_overlayer_lowered:
.L_overlay_start_2:
0x111: {  	(tag) =	ssettag $0x2  }
0x112: {  	s0 =	rddreg [dreg:$0x0];
	s2 =	stileid.u32  }
0x113: {  	s1 =	rddreg [dreg:$0x1];
	p0 =	sne.s32 s2, $0x0  }
0x114: {  	s3 =	rddreg [dreg:$0x2];
	[bflag:$0x3] =	sbarrier.arrive $0xFFFF;
	s2 =	simm.s32 @!p0 $0x1C05  }
0x115: {  	[timem:s3], [sflag:s2] =	dma.local @!p0 [hbm:s0], s1  }
0x116: {  	s0 =	simm.s32 @!p0 $0x5  }
0x117: {  	_ =	swait.ge @!p0 [sflag:s0], s1  }
0x118: {  	s1 =	ssub.s32 @!p0 $0x0, s1;
	[sflag:s0] =	ssyncset.done @!p0 $0x0  }
0x119: {  	[sflag:s0] =	ssyncadd.s32 @!p0 s1  }
0x11a: {  	[bflag:$0x3] =	sbarrier.arrive $0xFFFF  }
0x11b: {  	_ =	shalt  }

// kernel: sparse-core-data-format-call.cloned.1.call-start
scs
called_computation_lowered:
.L_overlay_start_0:
0x0: {  	s2 =	sld [smem:$0x3FD9]  }
0x1: {  	s3 =	sld [smem:$0x3FFE];
	_ =	sdelay $0x1  }
0x2: {  	s1 =	srdreg.scid  }
0x3: {  	s0 =	sand.u32 $0x1, s1  }
0x4: {  	s18 =	sshll.u32 s0, $0xA;
	s2 =	sadd.s32 s3, s2  }
0x5: {  	s2 =	sadd.s32 s2, s18  }
0x6: {  	[smem:$0x3FC6] =	sst s2  }
0x7: {  	_ = 	snop  }
0x8: {  	s2 =	sld [smem:$0x3FD0];
	(tm) =	ssettm $0x1  }
0x9: {  	s19 =	sld [smem:$0x3FFB];
	_ =	sdelay $0x3  }
0xa: {  	_ =	strace s19  }
0xb: {  	s3 =	sld [smem:$0x3FFC];
	_ =	sdelay $0x3  }
0xc: {  	_ =	strace s3  }
0xd: {  	s3 =	sld [smem:$0x3FFD];
	_ =	sdelay $0x3  }
0xe: {  	_ =	strace s3  }
0xf: {  	_ =	strace $0x8FFFFFFF  }
0x10: {  	s20 =	sld [smem:$0x3FDB];
	_ =	sdelay $0x1  }
0x11: {  	s4 =	simm.s32 $_scs_section_size  }
0x12: {  	s5 =	simm.s32 $_size__tile_overlayer_lowered;
	s6 =	simm.s32 $_tile_overlayer_lowered  }
0x13: {  	s23 =	simm.s32 $0x1BFF;
	s22 =	sshll.u32 s6, $0x1;
	s3 =	sadd.s32 s4, s20  }
0x14: {  	s7 =	simm.s32 $0x0;
	s21 =	sshll.u32 s5, $0x1;
	s5 =	sadd.s32 s22, s3  }
0x15: {  	[timem:s7], [sflag:s23] =	dma.local [hbm:s5], s21  }
0x16: {  	_ =	swait.ge [sflag:s23], s21  }
0x17: {  	s4 =	ssub.s32 $0x0, s21;
	[sflag:s23] =	ssyncset.done $0x0  }
0x18: {  	[sflag:s23] =	ssyncadd.s32 s4;
	_ =	sdelay $0x1  }
0x19: {  	s24 =	simm.s32 $0x1B8B  }
0x1a: {  	_ =	swait.ge [sflag:s24], $0x1  }
0x1b: {  	[sflag:s24] =	ssyncset.done $0x0  }
0x1c: {  	s26 =	simm.s32 $0x1B8E;
	s25 =	sld [smem:$0x3FFE];
	[sflag:s24] =	ssyncadd.s32 $0xFFFFFFFF  }
0x1d: {  	s27 =	simm.s32 $execute0_lowered;
	[smem:$0x3FD2] =	sst s26  }
0x1e: {  	s5 =	sshll.u32 s27, $0x1;
	_ =	strace $0x80000049;
	[dreg:$0x1] =	wrdreg $0xFFFFFFFF  }
0x1f: {  	s28 =	simm.s32 $_size_execute0_lowered;
	s3 =	sadd.s32 s3, s5;
	[dreg:$0x0] =	wrdreg $0x0  }
0x20: {  	s5 =	sshll.u32 s28, $0x1;
	[dreg:$0x2] =	wrdreg s3  }
0x21: {  	[dreg:$0x3] =	wrdreg s5  }
0x22: {  	[dreg:$0x4] =	wrdreg $0xC0  }
0x23: {  	_ =	task [dreg:s7], $0x5FFFF  }
0x24: {  	[dreg:$0x1] =	wrdreg $0xFFFFFFFF  }
0x25: {  	[dreg:$0x0] =	wrdreg $0x60  }
0x26: {  	[dreg:$0x2] =	wrdreg s25  }
0x27: {  	[dreg:$0x3] =	wrdreg s2  }
0x28: {  	[dreg:$0x4] =	wrdreg $0x9  }
0x29: {  	_ =	task.clear_ibuf [dreg:s7], $0x5FFFF;
	_ =	strace $0x90000049  }
0x2a: {  	s29 =	simm.s32 $0x9;
	_ =	strace $0x8000004B  }
0x2b: {  	_ =	swait.ge [sflag:s29], $0x1  }
0x2c: {  	[sflag:s29] =	ssyncadd.s32 $0xFFFFFFFF  }
0x2d: {  	_ =	strace $0x9000004B  }
0x2e: {  	_ =	sfence  }
0x2f: {  	s30 =	sld [smem:$0x0];
	_ =	sdelay $0x2  }
0x30: {  	s31 =	sshll.u32 s1, $0xD;
	s1 =	sshrl.u32 s1, $0x2  }
0x31: {  	s3 =	sand.u32 $0x4000, s31;
	s1 =	sadd.s32 s1, s30  }
0x32: {  	s0 =	sor.u32 s3, s0;
	s1 =	sshll.u32 s1, $0x11  }
0x33: {  	s0 =	sor.u32 s1, s0  }
0x34: {  	s0 =	sadd.s32 $0x8F2B, s0  }
0x35: {  	[sflag:s0] =	ssyncadd.remote.s32 $0x1  }
0x36: {  	_ =	sfence.sel $0xFFFF  }
0x37: {  	[dreg:$0x0] =	wrdreg $0xFFFFFFFF;
	(pc) =	sbr.abs _section_cstart, $3  }
0x38: {  	[dreg:$0x1] =	wrdreg $0xFFFFFFFF  }
0x39: {  	_ =	task.clear_ibuf [dreg:s7], $0x2FFFF;
	_ =	strace $0x9FFFFFFF  }
0x3a: {  	(tm) =	ssettm $0x7FFFFFFF  }
0x3b: {  	_ =	shalt  }
tec
execute0_lowered:
.L_overlay_start_1:
0x0: {  	(tag) =	ssettag $0x1  }
0x1: {  	s0 =	srdreg.scid  }
0x2: {  	s1 =	sshll.u32 s0, $0x4  }
0x3: {  	s0 =	stileid.u32;
	s1 =	sand.u32 $0x10, s1  }
0x4: {  	s1 =	sor.u32 s0, s1  }
0x5: {  	s6 =	rddreg [dreg:$0x0];
	s4 =	simm.s32 $0x1;
	s2 =	sshll.u32 s1, $0x7  }
0x6: {  	s7 =	simm.s32 $0x2;
	s12 =	simm.s32 $0x0;
	s1 =	ssub.s32 $0x4000, s2  }
0x7: {  	s8 =	simm.s32 $0x20000;
	s13 =	simm.s32 $0x0;
	s3 =	sand.u32 $0xF80, s1  }
0x8: {  	s9 =	simm.s32 $0x0;
	s5 =	sshrl.u32 s1, $0xC;
	p0 =	sne.s32 s3, $0x0  }
.Ltmp0:
0x9: {  	s1 =	rddreg [dreg:$0x2];
	s4 =	simm.s32 @!p0 $0x0;
	(pc) =	sbr.rel .LBB1_1-.Ltmp0, $4  }
0xa: {  	s11 =	simm.s32 $0x0;
	s3 =	rddreg [dreg:$0x1];
	s5 =	sadd.s32 s4, s5  }
0xb: {  	_ =	strace $0x8000004A;
	s4 =	simm.s32 $0x1;
	s5 =	smul.u32 $0x32, s5  }
0xc: {  	s6 =	sadd.s32 $0xA00, s6;
	s10 =	smov.u32 s2;
	[sflag:s4] =	ssyncpa.u1 $0x0  }
0xd: {  	p0 =	por $0x0, $0x0;
	[sflag:s7] =	ssyncpa.u1 $0x0;
	s7 =	sor.u32 $0x1, s5  }
.LBB1_4:
0xe: {  	s16 =	sshll.u32 s13, $0x3;
	s17 =	sand.u32 $0x78, s13  }
0xf: {  	s30 =	sand.u32 $0xF800, s13;
	s12 =	sshll.u32 s12, $0x10;
	s16 =	sand.u32 $0x3C00, s16  }
0x10: {  	s31 =	sand.u32 $0x7, s13;
	s16 =	sor.u32 s17, s16;
	s17 =	sadd.s32 s3, s30  }
0x11: {  	s13 =	sshll.u32 s31, $0x12;
	s16 =	sshrl.u32 s16, $0x3;
	s12 =	sadd.s32 s12, s17  }
0x12: {  	[tilespmem:s15+$0x0 ss:$0x81] =	vst.msk $0xffff, v0;
	s13 =	sor.u32 $0x400, s13;
	s12 =	sadd.s32 s16, s12  }
0x13: {  	[hbm4b:s12+s13] =	stream.strided.scatter [tilespmem:s14], [sflag:$0x2], $0x1000, s8, s13, $0x20;
	[tilespmem:$0x4040] =	vst v63  }
.LBB1_5:
0x14: {  	s14 =	sadd.s32 $0x1, s9  }
0x15: {  	s12 =	sadd.s32 $0x1000, s10;
	s16 =	smov.u32 s10;
	p2 =	sgt.s32 s14, $0x31  }
0x16: {  	s16 =	smov.u32 @p2 s12  }
0x17: {  	s14 =	simm.s32 @p2 $0x0;
	p2 =	sgt.s32 s16, $0x3FFF  }
0x18: {  	s16 =	smov.u32 @p2 s2;
	p2 =	sne.s32 s11, s7  }
.Ltmp1:
0x19: {  	p1 =	slt.u32 s11, $0x2;
	(pc) =	sbr.rel @!p2 .LBB1_6-.Ltmp1, $4  }
0x1a: {  	s15 =	simm.s32 @!p1 $0x2  }
0x1b: {  	s13 =	smov.u32 s10;
	p0 =	por !p0, !p0;
	_ =	swait.ge @!p1 [sflag:s15], $0x1000  }
0x1c: {  	s12 =	smov.u32 s9;
	[sflag:s15] =	ssyncset.done @!p1 $0x0;
	s9 =	smov.u32 s14  }
0x1d: {  	s11 =	sadd.s32 $0x1, s11;
	[sflag:s15] =	ssyncadd.s32 @!p1 $0xFFFFF000;
	s10 =	smov.u32 s16  }
.LBB1_1:
0x1e: {  	p1 =	sge.u32 s11, s5  }
0x1f: {  	s14 =	sand.u32 @!p1 $0x1FFFFFF, s9  }
0x20: {  	s15 =	smulhi.u32 @!p1 $0x4924925, s14;
	_ =	sdelay $0x1  }
0x21: {  	s15 =	smul.u32 @!p1 $0x38, s15  }
0x22: {  	s16 =	sxor.u32 @!p1 $0xFFFFFFFF, s11;
	s17 =	smul.u32 @!p1 $0x380, s10  }
0x23: {  	s31 =	sadd.s32 $0xFFFFFFFF, s11;
	s16 =	sshll.u32 @!p1 s16, $0xC;
	s14 =	ssub.s32 @!p1 s14, s15  }
0x24: {  	s15 =	sand.u32 @!p1 $0x1000, s16;
	s16 =	sadd.s32 @!p1 s6, s17;
	s14 =	sshll.u32 @!p1 s14, $0x4  }
0x25: {  	s17 =	simm.s32 @!p1 $0x1C00;
	s14 =	sadd.s32 @!p1 s14, s16;
	s16 =	simm.s32 @!p1 $0x20  }
0x26: {  	[tilespmem:s15], [sflag:$0x1] =	stream.strided.gather @!p1 [hbm4b:s14+s16], $0x1000, s17, s16, $0x38;
	[tilespmem:$0x4040] =	vst v63  }
0x27: {  	p1 =	sge.u32 s31, s5  }
.Ltmp2:
0x28: {  	_ = 	snop;
	(pc) =	sbr.rel @p1 .LBB1_5-.Ltmp2, $1  }
0x29: {  	_ =	sdelay $0x3  }
0x2a: {  	s14 =	simm.s32 $0x1  }
0x2b: {  	_ =	swait.ge [sflag:s4], $0x1000;
	s14 =	simm.s32 @!p0 $0x0  }
0x2c: {  	[sflag:s4] =	ssyncset.done $0x0;
	s15 =	sshll.u32 s14, $0xC  }
0x2d: {  	[sflag:s4] =	ssyncadd.s32 $0xFFFFF000;
	s18 =	sor.u32 $0x10, s15  }
0x2e: {  	s14 =	smul.u32 $0x4080, s14;
	v1 =	vld [tilespmem:s18+$0x0]  }
0x2f: {  	s30 =	sand.u32 $0x1, s11;
	v0 =	vld [tilespmem:s18+$0xFFFFFFF0]  }
0x30: {  	s15 =	smul.u32 $0x4080, s30;
	s14 =	sshrl.u32 s14, $0x2  }
0x31: {  	s16 =	sor.u32 $0x2000, s14  }
0x32: {  	s31 =	sshrl.u32 s15, $0x2;
	s15 =	sadd.s32 $0x0, s16  }
0x33: {  	s17 =	simm.s32 $0x4;
	s18 =	sadd.s32 $0x20, s18;
	s14 =	sor.u32 $0x2000, s31;
	[tilespmem:s15+$0x810 ss:$0x81] =	vst.msk $0xffff, v1  }
.LBB1_3:
0x34: {  	v1 =	vld [tilespmem:s18+$0x0];
	p1 =	sne.s32 s17, $0x1FC;
	[tilespmem:s15+$0x0 ss:$0x81] =	vst.msk $0xffff, v0;
	s15 =	smov.u32 s17;
	s17 =	sadd.s32 $0x4, s17  }
.Ltmp3:
0x35: {  	v0 =	vld [tilespmem:s18+$0xFFFFFFF0];
	(pc) =	sbr.rel @p1 .LBB1_3-.Ltmp3, $4  }
0x36: {  	_ = 	snop  }
0x37: {  	s15 =	sshra.s32 s15, $0x2  }
0x38: {  	s15 =	sadd.s32 s15, s16  }
0x39: {  	s18 =	sadd.s32 $0x20, s18;
	[tilespmem:s15+$0x810 ss:$0x81] =	vst.msk $0xffff, v1  }
.Ltmp4:
0x3a: {  	_ = 	snop;
	(pc) =	sbr.rel .LBB1_4-.Ltmp4, $1  }
0x3b: {  	_ =	sdelay $0x3  }
.LBB1_6:
0x3c: {  	_ =	sfence.sel $0x180000  }
0x3d: {  	s2 =	simm.s32 $0x1;
	[bflag:$0x0] =	sbarrier.arrive $0xFFFF  }
0x3e: {  	s31 =	simm.s32 $0x2;
	[sflag:s2] =	ssyncpa.u1 $0x1  }
0x3f: {  	[sflag:s31] =	ssyncpa.u1 $0x1  }
0x40: {  	p0 =	sne.s32 s0, $0x0;
	_ =	strace $0x9000004A  }
0x41: {  	s0 =	sadd.s32 @!p0 $0x100000, s1;
	[bflag:$0x2] =	sbarrier.arrive $0xFFFF  }
0x42: {  	[sflag:s0] =	ssyncadd.tile.s32 @!p0 $0x1;
	_ =	shalt  }
.Lfunc_end1:
_tile_overlayer_lowered:
.L_overlay_start_2:
0x43: {  	(tag) =	ssettag $0x2  }
0x44: {  	s0 =	rddreg [dreg:$0x0];
	s2 =	stileid.u32  }
0x45: {  	s1 =	rddreg [dreg:$0x1];
	p0 =	sne.s32 s2, $0x0  }
0x46: {  	s3 =	rddreg [dreg:$0x2];
	[bflag:$0x3] =	sbarrier.arrive $0xFFFF;
	s2 =	simm.s32 @!p0 $0x1C01  }
0x47: {  	[timem:s3], [sflag:s2] =	dma.local @!p0 [hbm:s0], s1  }
0x48: {  	s0 =	simm.s32 @!p0 $0x1  }
0x49: {  	_ =	swait.ge @!p0 [sflag:s0], s1  }
0x4a: {  	s1 =	ssub.s32 @!p0 $0x0, s1;
	[sflag:s0] =	ssyncset.done @!p0 $0x0  }
0x4b: {  	[sflag:s0] =	ssyncadd.s32 @!p0 s1  }
0x4c: {  	[bflag:$0x3] =	sbarrier.arrive $0xFFFF  }
0x4d: {  	_ =	shalt  }

</sc_bundles>
